<compile_context>
chip_gen: v7x
topology: tpu7x:2x2x1
jax: 0.10.2.dev20260603
libtpu: 0.0.44.dev20260713+nightly
codegen_flags: <defaults>
</compile_context>

<pallas_src>
import functools

import jax
import jax.numpy as jnp
from jax import lax
from jax.experimental import pallas as pl
from jax.experimental.pallas import tpu as pltpu
from jax.experimental.pallas import tpu_sc as plsc

N = 10000
E = 320000
D = 128
G = 64
NCORES = 2
NTILES = 16
BATCH = 128
NB = 160
CB = 40
NCHUNK = NB // CB
TPB = NB * BATCH
EPAD = NTILES * TPB
NACC = 10240
SINK = N
STRIDE = NACC // NTILES
CHUNK = 32
R = 1000
NBLK = N // R

_mesh = plsc.VectorSubcoreMesh(core_axis_name="c", subcore_axis_name="s")


@functools.partial(
    pl.kernel,
    mesh=_mesh,
    out_type=jax.ShapeDtypeStruct((NCORES * NTILES, NACC), jnp.float32),
    scratch_types=[
        pltpu.VMEM((CB, BATCH), jnp.int32),
        pltpu.VMEM((NACC,), jnp.float32),
    ],
    compiler_params=pltpu.CompilerParams(needs_layout_passes=False),
)
def _hist_kernel(rows_hbm, deg_hbm, idx_v, hist):
    cid = lax.axis_index("c")
    sid = lax.axis_index("s")
    wid = cid * NTILES + sid
    off = cid * NACC
    zeros16 = jnp.zeros((16,), jnp.float32)
    ones16 = jnp.ones((16,), jnp.float32)

    def zbody(i, c):
        hist[pl.ds(i * 16, 16)] = zeros16
        return c

    lax.fori_loop(0, NACC // 16, zbody, 0)

    def chunk_body(c, carry):
        pltpu.sync_copy(rows_hbm.at[wid, pl.ds(c * CB, CB)], idx_v)

        def row_body(jj, c2):
            def vec_body(k, c3):
                v = idx_v[jj, pl.ds(k * 16, 16)] - off
                plsc.addupdate_scatter(hist, [v], ones16)
                return c3

            return lax.fori_loop(0, BATCH // 16, vec_body, c2)

        return lax.fori_loop(0, CB, row_body, carry)

    lax.fori_loop(0, NCHUNK, chunk_body, 0)
    pltpu.sync_copy(hist, deg_hbm.at[wid])


@functools.partial(
    pl.kernel,
    mesh=_mesh,
    out_type=jax.ShapeDtypeStruct((NCORES * NACC, D), jnp.float32),
    scratch_types=[
        pltpu.VMEM((CB, BATCH), jnp.int32),
        pltpu.VMEM((CB, BATCH), jnp.int32),
        pltpu.VMEM((BATCH, D), jnp.float32),
        pltpu.VMEM((BATCH, D), jnp.float32),
        pltpu.VMEM_SHARED((NACC, D), jnp.float32),
        pltpu.SemaphoreType.DMA,
        pltpu.SemaphoreType.DMA,
    ],
)
def _scatter_kernel(g_hbm, rows_hbm, cols_hbm, zeros_hbm, s_hbm, rows_v,
                    cols_v, gbuf0, gbuf1, acc, sem0, sem1):
    cid = lax.axis_index("c")
    sid = lax.axis_index("s")
    wid = cid * NTILES + sid
    pltpu.sync_copy(zeros_hbm, gbuf0)
    for k in range(STRIDE // BATCH):
        pltpu.sync_copy(gbuf0, acc.at[pl.ds(sid * STRIDE + k * BATCH, BATCH)])
    plsc.subcore_barrier()

    def chunk_body(c, carry):
        pltpu.sync_copy(rows_hbm.at[wid, pl.ds(c * CB, CB)], rows_v)
        pltpu.sync_copy(cols_hbm.at[wid, pl.ds(c * CB, CB)], cols_v)
        pltpu.async_copy(g_hbm.at[rows_v.at[0]], gbuf0, sem0)
        pltpu.async_copy(g_hbm.at[rows_v.at[1]], gbuf1, sem1)

        def pair_body(p, c2):
            j = 2 * p
            pltpu.make_async_copy(g_hbm.at[rows_v.at[j]], gbuf0, sem0).wait()
            pltpu.sync_copy(gbuf0, acc.at[cols_v.at[j]], add=True)
            pltpu.async_copy(g_hbm.at[rows_v.at[j + 2]], gbuf0, sem0)
            pltpu.make_async_copy(g_hbm.at[rows_v.at[j + 1]], gbuf1,
                                  sem1).wait()
            pltpu.sync_copy(gbuf1, acc.at[cols_v.at[j + 1]], add=True)
            pltpu.async_copy(g_hbm.at[rows_v.at[j + 3]], gbuf1, sem1)
            return c2

        lax.fori_loop(0, (CB - 2) // 2, pair_body, 0)
        pltpu.make_async_copy(g_hbm.at[rows_v.at[CB - 2]], gbuf0, sem0).wait()
        pltpu.sync_copy(gbuf0, acc.at[cols_v.at[CB - 2]], add=True)
        pltpu.make_async_copy(g_hbm.at[rows_v.at[CB - 1]], gbuf1, sem1).wait()
        pltpu.sync_copy(gbuf1, acc.at[cols_v.at[CB - 1]], add=True)
        return carry

    lax.fori_loop(0, NCHUNK, chunk_body, 0)
    plsc.subcore_barrier()
    bufs = (gbuf0, gbuf1)
    sems = (sem0, sem1)
    nco = STRIDE // BATCH
    for k in range(nco):
        b, s = bufs[k % 2], sems[k % 2]
        if k >= 2:
            poff = cid * NACC + sid * STRIDE + (k - 2) * BATCH
            pltpu.make_async_copy(b, s_hbm.at[pl.ds(poff, BATCH)], s).wait()
        off = cid * NACC + sid * STRIDE + k * BATCH
        pltpu.sync_copy(acc.at[pl.ds(sid * STRIDE + k * BATCH, BATCH)], b)
        pltpu.async_copy(b, s_hbm.at[pl.ds(off, BATCH)], s)
    for k in (nco - 2, nco - 1):
        b, s = bufs[k % 2], sems[k % 2]
        off = cid * NACC + sid * STRIDE + k * BATCH
        pltpu.make_async_copy(b, s_hbm.at[pl.ds(off, BATCH)], s).wait()


def _lin_body(x_ref, w_ref, b_ref, deg_ref, h_ref, g_ref):
    x = x_ref[0]
    h = jnp.dot(x, w_ref[0], preferred_element_type=jnp.float32) + b_ref[0, 0]
    h = jnp.maximum(h, 0.0)
    deg = deg_ref[0, 0]
    dinv = jnp.where(deg > 0.0, lax.rsqrt(deg), 0.0)
    h_ref[0] = h
    g_ref[0] = h * dinv[:, None]


def _lin_call(x_s, w_s, b_s, deg_r):
    return pl.pallas_call(
        _lin_body,
        grid=(2, NBLK),
        in_specs=[
            pl.BlockSpec((1, R, D), lambda g, j: (g, j, 0)),
            pl.BlockSpec((1, D, D), lambda g, j: (g, 0, 0)),
            pl.BlockSpec((1, 1, D), lambda g, j: (g, 0, 0)),
            pl.BlockSpec((1, 1, R), lambda g, j: (g * NBLK + j, 0, 0)),
        ],
        out_specs=[
            pl.BlockSpec((1, R, D), lambda g, j: (g, j, 0)),
            pl.BlockSpec((1, R, D), lambda g, j: (g, j, 0)),
        ],
        out_shape=[
            jax.ShapeDtypeStruct((2, N, D), jnp.float32),
            jax.ShapeDtypeStruct((2, NACC, D), jnp.float32),
        ],
    )(x_s, w_s, b_s, deg_r)


def _out_body(h_ref, s_ref, deg_ref, w0_ref, w1_ref, b_ref, bat_ref, fw_ref,
              p_ref, o_ref):
    gi = pl.program_id(0)
    j = pl.program_id(1)
    deg = deg_ref[0, 0]
    dinv = jnp.where(deg > 0.0, lax.rsqrt(deg), 0.0)
    tx1 = s_ref[0] * (-dinv)[:, None]
    o = (jnp.dot(h_ref[0], w0_ref[0], preferred_element_type=jnp.float32)
         + jnp.dot(tx1, w1_ref[0], preferred_element_type=jnp.float32)
         + b_ref[0, 0])
    o = jnp.maximum(o, 0.0)
    bat = bat_ref[0, 0]
    oh = (bat[None, :] == lax.broadcasted_iota(jnp.int32, (G, R), 0)
          ).astype(jnp.float32)
    contrib = jnp.dot(oh, o, preferred_element_type=jnp.float32)

    @pl.when(j == 0)
    def _():
        p_ref[0] = contrib

    @pl.when(j > 0)
    def _():
        p_ref[0] += contrib

    @pl.when(jnp.logical_and(gi == 0, j == NBLK - 1))
    def _():
        o_ref[...] = jnp.dot(p_ref[0], fw_ref[0],
                             preferred_element_type=jnp.float32)

    @pl.when(jnp.logical_and(gi == 1, j == NBLK - 1))
    def _():
        o_ref[...] += jnp.dot(p_ref[0], fw_ref[0],
                              preferred_element_type=jnp.float32)


def _out_call(h_s, s_s, deg_r, w0_s, w1_s, cb_s, bat_r, fw_s):
    return pl.pallas_call(
        _out_body,
        grid=(2, NBLK),
        in_specs=[
            pl.BlockSpec((1, R, D), lambda g, j: (g, j, 0)),
            pl.BlockSpec((1, R, D), lambda g, j: (g, j, 0)),
            pl.BlockSpec((1, 1, R), lambda g, j: (g * NBLK + j, 0, 0)),
            pl.BlockSpec((1, D, D), lambda g, j: (g, 0, 0)),
            pl.BlockSpec((1, D, D), lambda g, j: (g, 0, 0)),
            pl.BlockSpec((1, 1, D), lambda g, j: (g, 0, 0)),
            pl.BlockSpec((1, 1, R), lambda g, j: (g * NBLK + j, 0, 0)),
            pl.BlockSpec((1, D, 1), lambda g, j: (g, 0, 0)),
        ],
        out_specs=[
            pl.BlockSpec((1, G, D), lambda g, j: (g, 0, 0)),
            pl.BlockSpec((G, 1), lambda g, j: (0, 0)),
        ],
        out_shape=[
            jax.ShapeDtypeStruct((2, G, D), jnp.float32),
            jax.ShapeDtypeStruct((G, 1), jnp.float32),
        ],
    )(h_s, s_s, deg_r, w0_s, w1_s, cb_s, bat_r, fw_s)


def _deg_body(hist_ref, deg_ref):
    deg_ref[0, 0] = jnp.sum(hist_ref[0], axis=0)


def _deg_call(hist):
    return pl.pallas_call(
        _deg_body,
        grid=(2,),
        in_specs=[pl.BlockSpec((1, NTILES, NACC), lambda g: (g, 0, 0))],
        out_specs=pl.BlockSpec((1, 1, NACC), lambda g: (g, 0, 0)),
        out_shape=jax.ShapeDtypeStruct((2, 1, NACC), jnp.float32),
    )(hist)


def kernel(x1, x2, edge_index1, edge_index2, x1_batch, x2_batch,
           lin1_w, lin1_b, cheb1_w0, cheb1_w1, cheb1_b,
           lin2_w, lin2_b, cheb2_w0, cheb2_w1, cheb2_b,
           fc2_w, fc2_b):
    r1 = edge_index1[0].astype(jnp.int32)
    c1 = edge_index1[1].astype(jnp.int32)
    r2 = edge_index2[0].astype(jnp.int32)
    c2 = edge_index2[1].astype(jnp.int32)
    pad = jnp.full((EPAD - E,), SINK, jnp.int32)
    rows_off = jnp.concatenate([r1, pad, r2 + NACC, pad + NACC]
                               ).reshape(NCORES * NTILES, NB, BATCH)
    cols = jnp.concatenate([c1, pad, c2, pad]
                           ).reshape(NCORES * NTILES, NB, BATCH)
    zerosD = jnp.zeros((BATCH, D), jnp.float32)

    hist = _hist_kernel(rows_off).reshape(NCORES, NTILES, NACC)
    deg_r = _deg_call(hist)[:, 0, :N].reshape(2 * NBLK, 1, R)

    x_s = jnp.stack([x1, x2])
    w_s = jnp.stack([lin1_w, lin2_w])
    b_s = jnp.stack([lin1_b, lin2_b]).reshape(2, 1, D)
    h_s, g_s = _lin_call(x_s, w_s, b_s, deg_r)

    s_flat = _scatter_kernel(g_s.reshape(NCORES * NACC, D), rows_off, cols,
                             zerosD)
    s_s = s_flat.reshape(NCORES, NACC, D)

    w0_s = jnp.stack([cheb1_w0, cheb2_w0])
    w1_s = jnp.stack([cheb1_w1, cheb2_w1])
    cb_s = jnp.stack([cheb1_b, cheb2_b]).reshape(2, 1, D)
    bat_r = jnp.stack([x1_batch, x2_batch]).astype(jnp.int32
                                                   ).reshape(2 * NBLK, 1, R)
    fw_s = fc2_w.reshape(2, D, 1)
    _, o = _out_call(h_s, s_s, deg_r, w0_s, w1_s, cb_s, bat_r, fw_s)
    return o.reshape(G) + fc2_b

# --- scband reference (transcript-rebuilt; emitter-appended) ---
"""Pipeline reference for scband-net-10075993276849 (READ-ONLY COPY).

The authoritative reference and input builder live on the scoring server;
editing this copy changes nothing except your own understanding.
"""

import jax, jax.numpy as jnp
import numpy as np

N = 10000
E = 320000
F_IN = 128
DIM = 128
G = 64


def setup_inputs(seed: int = 0):
    key = jax.random.key(seed)
    ks = jax.random.split(key, 20)
    inp = {}
    inp['x1'] = jax.random.normal(ks[0], (N, F_IN), dtype=jnp.float32)
    inp['x2'] = jax.random.normal(ks[1], (N, F_IN), dtype=jnp.float32)
    inp['edge_index1'] = jax.random.randint(ks[2], (2, E), 0, N)
    inp['edge_index2'] = jax.random.randint(ks[3], (2, E), 0, N)
    inp['x1_batch'] = jnp.sort(jax.random.randint(ks[4], (N,), 0, G))
    inp['x2_batch'] = jnp.sort(jax.random.randint(ks[5], (N,), 0, G))
    s = 1.0 / np.sqrt(F_IN)
    sd = 1.0 / np.sqrt(DIM)
    inp['lin1_w'] = jax.random.uniform(ks[6], (F_IN, DIM), minval=-s, maxval=s, dtype=jnp.float32)
    inp['lin1_b'] = jnp.zeros((DIM,), dtype=jnp.float32)
    inp['cheb1_w0'] = jax.random.uniform(ks[7], (DIM, DIM), minval=-sd, maxval=sd, dtype=jnp.float32)
    inp['cheb1_w1'] = jax.random.uniform(ks[8], (DIM, DIM), minval=-sd, maxval=sd, dtype=jnp.float32)
    inp['cheb1_b'] = jnp.zeros((DIM,), dtype=jnp.float32)
    inp['lin2_w'] = jax.random.uniform(ks[9], (F_IN, DIM), minval=-s, maxval=s, dtype=jnp.float32)
    inp['lin2_b'] = jnp.zeros((DIM,), dtype=jnp.float32)
    inp['cheb2_w0'] = jax.random.uniform(ks[10], (DIM, DIM), minval=-sd, maxval=sd, dtype=jnp.float32)
    inp['cheb2_w1'] = jax.random.uniform(ks[11], (DIM, DIM), minval=-sd, maxval=sd, dtype=jnp.float32)
    inp['cheb2_b'] = jnp.zeros((DIM,), dtype=jnp.float32)
    inp['fc2_w'] = jax.random.uniform(ks[12], (2 * DIM, 1), minval=-sd, maxval=sd, dtype=jnp.float32)
    inp['fc2_b'] = jnp.zeros((1,), dtype=jnp.float32)
    return inp


def cheb_conv(x, edge_index, w0, w1, b):
    # ChebConv K=2, normalization='sym', lambda_max=2.0:
    # L_hat = L - I = -D^{-1/2} A D^{-1/2}; out = x @ W0 + (L_hat x) @ W1 + b
    row = edge_index[0]
    col = edge_index[1]
    ones = jnp.ones(row.shape[0], dtype=x.dtype)
    deg = jax.ops.segment_sum(ones, row, num_segments=N)
    deg_inv_sqrt = jnp.where(deg > 0, deg ** -0.5, 0.0)
    norm = -deg_inv_sqrt[row] * deg_inv_sqrt[col]
    tx1 = jax.ops.segment_sum(norm[:, None] * x[row], col, num_segments=N)
    return x @ w0 + tx1 @ w1 + b


def reference(x1, x2, edge_index1, edge_index2, x1_batch, x2_batch,
              lin1_w, lin1_b, cheb1_w0, cheb1_w1, cheb1_b,
              lin2_w, lin2_b, cheb2_w0, cheb2_w1, cheb2_b,
              fc2_w, fc2_b):
    out1 = jax.nn.relu(x1 @ lin1_w + lin1_b)
    out1 = jax.nn.relu(cheb_conv(out1, edge_index1, cheb1_w0, cheb1_w1, cheb1_b))
    p1 = jax.ops.segment_sum(out1, x1_batch, num_segments=G)
    out2 = jax.nn.relu(x2 @ lin2_w + lin2_b)
    out2 = jax.nn.relu(cheb_conv(out2, edge_index2, cheb2_w0, cheb2_w1, cheb2_b))
    p2 = jax.ops.segment_sum(out2, x2_batch, num_segments=G)
    cat = jnp.concatenate([p1, p2], axis=1)
    pred = (cat @ fc2_w + fc2_b).reshape(-1)
    return pred

if __name__ == "__main__":
    import jax
    _d = setup_inputs()
    print(jax.jit(kernel)(*tuple(_d.values())))

</pallas_src>

<mosaic_0001>
#map = affine_map<(d0, d1) -> (0, 0, 0)>
#map1 = affine_map<(d0, d1) -> (0, 0)>
module attributes {stable_mosaic.version = 14 : i64} {
  func.func @_hist_kernel(%arg0: i32, %arg1: i32, %arg2: memref<32x160x128xi32, #tpu.memory_space<hbm>>, %arg3: memref<32x10240xf32, #tpu.memory_space<hbm>>, %arg4: memref<40x128xi32, #tpu.memory_space<vmem>>, %arg5: memref<10240xf32, #tpu.memory_space<vmem>>) attributes {dimension_semantics = [#tpu.dimension_semantics<core_parallel>, #tpu.dimension_semantics<subcore_parallel>], iteration_bounds = array<i64: 2, 16>, scalar_prefetch = 0 : i64, scratch_operands = 2 : i64, tpu.core_type = #tpu.core_type<sc_vector_subcore>, window_params = [{transform_indices = #map}, {transform_indices = #map1}]} {
    %mul3A = arith.constant 16 : i32
    %mul3A_0 = arith.muli %arg0, %mul3A : i32
    %add3A = arith.addi %mul3A_0, %arg1 : i32
    %mul3A_1 = arith.constant 10240 : i32
    %mul3A_2 = arith.muli %arg0, %mul3A_1 : i32
    %broadcast_in_dim3A = arith.constant 0.000000e+00 : f32
    %broadcast_in_dim3A_3 = vector.broadcast %broadcast_in_dim3A : f32 to vector<16xf32>
    %broadcast_in_dim3A_4 = arith.constant 1.000000e+00 : f32
    %broadcast_in_dim3A_5 = vector.broadcast %broadcast_in_dim3A_4 : f32 to vector<16xf32>
    %scan3A = arith.constant 0 : i32
    %scan3A_6 = arith.constant 0 : i32
    %scan3A_7 = arith.constant 640 : i32
    %scan3A_8 = arith.addi %scan3A_6, %scan3A_7 : i32
    %scan3A_9 = arith.constant 1 : i32
    scf.for %scan3A_17 = %scan3A_6 to %scan3A_8 step %scan3A_9  : i32 {
      %mul3A_18 = arith.constant 16 : i32
      %mul3A_19 = arith.muli %scan3A_17, %mul3A_18 : i32
      %swap3A = arith.index_cast %mul3A_19 : i32 to index
      %swap3A_20 = tpu.vector_load %arg5[%swap3A] {strides = array<i32>} : memref<10240xf32, #tpu.memory_space<vmem>>, vector<16xf32>,
      tpu.vector_store %arg5[%swap3A], %broadcast_in_dim3A_3 {strides = array<i32>} : memref<10240xf32, #tpu.memory_space<vmem>>, vector<16xf32>,
    }
    %scan3A_10 = arith.constant 640 : i32
    %scan3A_11 = arith.constant 0 : i32
    %scan3A_12 = arith.constant 0 : i32
    %scan3A_13 = arith.constant 4 : i32
    %scan3A_14 = arith.addi %scan3A_12, %scan3A_13 : i32
    %scan3A_15 = arith.constant 1 : i32
    scf.for %scan3A_17 = %scan3A_12 to %scan3A_14 step %scan3A_15  : i32 {
      %mul3A_18 = arith.constant 40 : i32
      %mul3A_19 = arith.muli %scan3A_17, %mul3A_18 : i32
      "tpu.region"() ({
        %run_scoped3A = tpu.sem_alloc : memref<!tpu.dma_semaphore, #tpu.memory_space<semaphore_mem>>
        %dma_start3A = arith.constant 0 : i32
        %dma_start3A_25 = tpu.memref_slice %arg2[%add3A, %mul3A_19, %dma_start3A] : memref<32x160x128xi32, #tpu.memory_space<hbm>> -> memref<1x40x128xi32, #tpu.memory_space<hbm>>
        %dma_start3A_26 = tpu.memref_squeeze %dma_start3A_25 : memref<1x40x128xi32, #tpu.memory_space<hbm>> -> memref<40x128xi32, #tpu.memory_space<hbm>>
        %dma_start3A_27 = arith.constant 0 : i32
        %dma_start3A_28 = tpu.memref_slice %arg2[%add3A, %mul3A_19, %dma_start3A_27] : memref<32x160x128xi32, #tpu.memory_space<hbm>> -> memref<1x40x128xi32, #tpu.memory_space<hbm>>
        %dma_start3A_29 = tpu.memref_squeeze %dma_start3A_28 : memref<1x40x128xi32, #tpu.memory_space<hbm>> -> memref<40x128xi32, #tpu.memory_space<hbm>>
        tpu.enqueue_dma source(%dma_start3A_29 : memref<40x128xi32, #tpu.memory_space<hbm>>) target(%arg4 : memref<40x128xi32, #tpu.memory_space<vmem>>) target_semaphore(%run_scoped3A : memref<!tpu.dma_semaphore, #tpu.memory_space<semaphore_mem>>)
        %dma_wait3A = arith.constant 0 : i32
        %dma_wait3A_30 = tpu.memref_slice %arg2[%add3A, %mul3A_19, %dma_wait3A] : memref<32x160x128xi32, #tpu.memory_space<hbm>> -> memref<1x40x128xi32, #tpu.memory_space<hbm>>
        %dma_wait3A_31 = tpu.memref_squeeze %dma_wait3A_30 : memref<1x40x128xi32, #tpu.memory_space<hbm>> -> memref<40x128xi32, #tpu.memory_space<hbm>>
        %dma_wait3A_32 = arith.constant 0 : i32
        %dma_wait3A_33 = tpu.memref_slice %arg2[%add3A, %mul3A_19, %dma_wait3A_32] : memref<32x160x128xi32, #tpu.memory_space<hbm>> -> memref<1x40x128xi32, #tpu.memory_space<hbm>>
        %dma_wait3A_34 = tpu.memref_squeeze %dma_wait3A_33 : memref<1x40x128xi32, #tpu.memory_space<hbm>> -> memref<40x128xi32, #tpu.memory_space<hbm>>
        tpu.wait_dma2 semaphore(%run_scoped3A : memref<!tpu.dma_semaphore, #tpu.memory_space<semaphore_mem>>) src(%dma_wait3A_34 : memref<40x128xi32, #tpu.memory_space<hbm>>) dst(%arg4 : memref<40x128xi32, #tpu.memory_space<vmem>>)
        tpu.yield
      }) : () -> ()
      %scan3A_20 = arith.constant 0 : i32
      %scan3A_21 = arith.constant 40 : i32
      %scan3A_22 = arith.addi %scan3A_20, %scan3A_21 : i32
      %scan3A_23 = arith.constant 1 : i32
      scf.for %scan3A_25 = %scan3A_20 to %scan3A_22 step %scan3A_23  : i32 {
        %scan3A_26 = arith.constant 0 : i32
        %scan3A_27 = arith.constant 8 : i32
        %scan3A_28 = arith.addi %scan3A_26, %scan3A_27 : i32
        %scan3A_29 = arith.constant 1 : i32
        scf.for %scan3A_31 = %scan3A_26 to %scan3A_28 step %scan3A_29  : i32 {
          %mul3A_32 = arith.constant 16 : i32
          %mul3A_33 = arith.muli %scan3A_31, %mul3A_32 : i32
          %get3A = arith.index_cast %scan3A_25 : i32 to index
          %get3A_34 = arith.index_cast %mul3A_33 : i32 to index
          %get3A_35 = tpu.vector_load %arg4[%get3A, %get3A_34] {strides = array<i32>} : memref<40x128xi32, #tpu.memory_space<vmem>>, vector<16xi32>,
          %sub3A = vector.broadcast %mul3A_2 : i32 to vector<16xi32>
          %sub3A_36 = arith.subi %get3A_35, %sub3A : vector<16xi32>
          tpu.vector_store_idx %arg5[%sub3A_36], %broadcast_in_dim3A_5 {add = true} : memref<10240xf32, #tpu.memory_space<vmem>>[vector<16xi32>], vector<16xf32>,
        }
        %scan3A_30 = arith.constant 8 : i32
      }
      %scan3A_24 = arith.constant 40 : i32
    }
    %scan3A_16 = arith.constant 4 : i32
    "tpu.region"() ({
      %run_scoped3A = tpu.sem_alloc : memref<!tpu.dma_semaphore, #tpu.memory_space<semaphore_mem>>
      %dma_start3A = arith.constant 0 : i32
      %dma_start3A_17 = tpu.memref_slice %arg3[%add3A, %dma_start3A] : memref<32x10240xf32, #tpu.memory_space<hbm>> -> memref<1x10240xf32, #tpu.memory_space<hbm>>
      %dma_start3A_18 = tpu.memref_squeeze %dma_start3A_17 : memref<1x10240xf32, #tpu.memory_space<hbm>> -> memref<10240xf32, #tpu.memory_space<hbm>>
      %dma_start3A_19 = arith.constant 0 : i32
      %dma_start3A_20 = tpu.memref_slice %arg3[%add3A, %dma_start3A_19] : memref<32x10240xf32, #tpu.memory_space<hbm>> -> memref<1x10240xf32, #tpu.memory_space<hbm>>
      %dma_start3A_21 = tpu.memref_squeeze %dma_start3A_20 : memref<1x10240xf32, #tpu.memory_space<hbm>> -> memref<10240xf32, #tpu.memory_space<hbm>>
      tpu.enqueue_dma source(%arg5 : memref<10240xf32, #tpu.memory_space<vmem>>) target(%dma_start3A_21 : memref<10240xf32, #tpu.memory_space<hbm>>) target_semaphore(%run_scoped3A : memref<!tpu.dma_semaphore, #tpu.memory_space<semaphore_mem>>)
      %dma_wait3A = arith.constant 0 : i32
      %dma_wait3A_22 = tpu.memref_slice %arg3[%add3A, %dma_wait3A] : memref<32x10240xf32, #tpu.memory_space<hbm>> -> memref<1x10240xf32, #tpu.memory_space<hbm>>
      %dma_wait3A_23 = tpu.memref_squeeze %dma_wait3A_22 : memref<1x10240xf32, #tpu.memory_space<hbm>> -> memref<10240xf32, #tpu.memory_space<hbm>>
      %dma_wait3A_24 = arith.constant 0 : i32
      %dma_wait3A_25 = tpu.memref_slice %arg3[%add3A, %dma_wait3A_24] : memref<32x10240xf32, #tpu.memory_space<hbm>> -> memref<1x10240xf32, #tpu.memory_space<hbm>>
      %dma_wait3A_26 = tpu.memref_squeeze %dma_wait3A_25 : memref<1x10240xf32, #tpu.memory_space<hbm>> -> memref<10240xf32, #tpu.memory_space<hbm>>
      tpu.wait_dma2 semaphore(%run_scoped3A : memref<!tpu.dma_semaphore, #tpu.memory_space<semaphore_mem>>) src(%arg5 : memref<10240xf32, #tpu.memory_space<vmem>>) dst(%dma_wait3A_26 : memref<10240xf32, #tpu.memory_space<hbm>>)
      tpu.yield
    }) : () -> ()
    return
  }
}

#map = affine_map<(d0, d1) -> (0, 0)>
#map1 = affine_map<(d0, d1) -> (0, 0, 0)>
module attributes {stable_mosaic.version = 14 : i64} {
  func.func @_scatter_kernel(%arg0: i32, %arg1: i32, %arg2: memref<20480x128xf32, #tpu.memory_space<hbm>>, %arg3: memref<32x160x128xi32, #tpu.memory_space<hbm>>, %arg4: memref<32x160x128xi32, #tpu.memory_space<hbm>>, %arg5: memref<128x128xf32, #tpu.memory_space<hbm>>, %arg6: memref<20480x128xf32, #tpu.memory_space<hbm>>, %arg7: memref<40x128xi32, #tpu.memory_space<vmem>>, %arg8: memref<40x128xi32, #tpu.memory_space<vmem>>, %arg9: memref<128x128xf32, #tpu.memory_space<vmem>>, %arg10: memref<128x128xf32, #tpu.memory_space<vmem>>, %arg11: memref<10240x128xf32, #tpu.memory_space<vmem_shared>>, %arg12: memref<!tpu.dma_semaphore, #tpu.memory_space<semaphore_mem>>, %arg13: memref<!tpu.dma_semaphore, #tpu.memory_space<semaphore_mem>>) attributes {dimension_semantics = [#tpu.dimension_semantics<core_parallel>, #tpu.dimension_semantics<subcore_parallel>], iteration_bounds = array<i64: 2, 16>, scalar_prefetch = 0 : i64, scratch_operands = 7 : i64, tpu.core_type = #tpu.core_type<sc_vector_subcore>, window_params = [{transform_indices = #map}, {transform_indices = #map1}, {transform_indices = #map1}, {transform_indices = #map}, {transform_indices = #map}]} {
    %mul3A = arith.constant 16 : i32
    %mul3A_0 = arith.muli %arg0, %mul3A : i32
    %add3A = arith.addi %mul3A_0, %arg1 : i32
    "tpu.region"() ({
      %run_scoped3A = tpu.sem_alloc : memref<!tpu.dma_semaphore, #tpu.memory_space<semaphore_mem>>
      tpu.enqueue_dma source(%arg5 : memref<128x128xf32, #tpu.memory_space<hbm>>) target(%arg9 : memref<128x128xf32, #tpu.memory_space<vmem>>) target_semaphore(%run_scoped3A : memref<!tpu.dma_semaphore, #tpu.memory_space<semaphore_mem>>)
      tpu.wait_dma2 semaphore(%run_scoped3A : memref<!tpu.dma_semaphore, #tpu.memory_space<semaphore_mem>>) src(%arg5 : memref<128x128xf32, #tpu.memory_space<hbm>>) dst(%arg9 : memref<128x128xf32, #tpu.memory_space<vmem>>)
      tpu.yield
    }) : () -> ()
    %mul3A_1 = arith.constant 640 : i32
    %mul3A_2 = arith.muli %arg1, %mul3A_1 : i32
    %add3A_3 = arith.constant 0 : i32
    %add3A_4 = arith.addi %mul3A_2, %add3A_3 : i32
    "tpu.region"() ({
      %run_scoped3A = tpu.sem_alloc : memref<!tpu.dma_semaphore, #tpu.memory_space<semaphore_mem>>
      %dma_start3A_155 = arith.constant 0 : i32
      %dma_start3A_156 = tpu.memref_slice %arg11[%add3A_4, %dma_start3A_155] : memref<10240x128xf32, #tpu.memory_space<vmem_shared>> -> memref<128x128xf32, #tpu.memory_space<vmem_shared>>
      %dma_start3A_157 = arith.constant 0 : i32
      %dma_start3A_158 = tpu.memref_slice %arg11[%add3A_4, %dma_start3A_157] : memref<10240x128xf32, #tpu.memory_space<vmem_shared>> -> memref<128x128xf32, #tpu.memory_space<vmem_shared>>
      tpu.enqueue_dma source(%arg9 : memref<128x128xf32, #tpu.memory_space<vmem>>) target(%dma_start3A_158 : memref<128x128xf32, #tpu.memory_space<vmem_shared>>) target_semaphore(%run_scoped3A : memref<!tpu.dma_semaphore, #tpu.memory_space<semaphore_mem>>)
      %dma_wait3A_159 = arith.constant 0 : i32
      %dma_wait3A_160 = tpu.memref_slice %arg11[%add3A_4, %dma_wait3A_159] : memref<10240x128xf32, #tpu.memory_space<vmem_shared>> -> memref<128x128xf32, #tpu.memory_space<vmem_shared>>
      %dma_wait3A_161 = arith.constant 0 : i32
      %dma_wait3A_162 = tpu.memref_slice %arg11[%add3A_4, %dma_wait3A_161] : memref<10240x128xf32, #tpu.memory_space<vmem_shared>> -> memref<128x128xf32, #tpu.memory_space<vmem_shared>>
      tpu.wait_dma2 semaphore(%run_scoped3A : memref<!tpu.dma_semaphore, #tpu.memory_space<semaphore_mem>>) src(%arg9 : memref<128x128xf32, #tpu.memory_space<vmem>>) dst(%dma_wait3A_162 : memref<128x128xf32, #tpu.memory_space<vmem_shared>>)
      tpu.yield
    }) : () -> ()
    %mul3A_5 = arith.constant 640 : i32
    %mul3A_6 = arith.muli %arg1, %mul3A_5 : i32
    %add3A_7 = arith.constant 128 : i32
    %add3A_8 = arith.addi %mul3A_6, %add3A_7 : i32
    "tpu.region"() ({
      %run_scoped3A = tpu.sem_alloc : memref<!tpu.dma_semaphore, #tpu.memory_space<semaphore_mem>>
      %dma_start3A_155 = arith.constant 0 : i32
      %dma_start3A_156 = tpu.memref_slice %arg11[%add3A_8, %dma_start3A_155] : memref<10240x128xf32, #tpu.memory_space<vmem_shared>> -> memref<128x128xf32, #tpu.memory_space<vmem_shared>>
      %dma_start3A_157 = arith.constant 0 : i32
      %dma_start3A_158 = tpu.memref_slice %arg11[%add3A_8, %dma_start3A_157] : memref<10240x128xf32, #tpu.memory_space<vmem_shared>> -> memref<128x128xf32, #tpu.memory_space<vmem_shared>>
      tpu.enqueue_dma source(%arg9 : memref<128x128xf32, #tpu.memory_space<vmem>>) target(%dma_start3A_158 : memref<128x128xf32, #tpu.memory_space<vmem_shared>>) target_semaphore(%run_scoped3A : memref<!tpu.dma_semaphore, #tpu.memory_space<semaphore_mem>>)
      %dma_wait3A_159 = arith.constant 0 : i32
      %dma_wait3A_160 = tpu.memref_slice %arg11[%add3A_8, %dma_wait3A_159] : memref<10240x128xf32, #tpu.memory_space<vmem_shared>> -> memref<128x128xf32, #tpu.memory_space<vmem_shared>>
      %dma_wait3A_161 = arith.constant 0 : i32
      %dma_wait3A_162 = tpu.memref_slice %arg11[%add3A_8, %dma_wait3A_161] : memref<10240x128xf32, #tpu.memory_space<vmem_shared>> -> memref<128x128xf32, #tpu.memory_space<vmem_shared>>
      tpu.wait_dma2 semaphore(%run_scoped3A : memref<!tpu.dma_semaphore, #tpu.memory_space<semaphore_mem>>) src(%arg9 : memref<128x128xf32, #tpu.memory_space<vmem>>) dst(%dma_wait3A_162 : memref<128x128xf32, #tpu.memory_space<vmem_shared>>)
      tpu.yield
    }) : () -> ()
    %mul3A_9 = arith.constant 640 : i32
    %mul3A_10 = arith.muli %arg1, %mul3A_9 : i32
    %add3A_11 = arith.constant 256 : i32
    %add3A_12 = arith.addi %mul3A_10, %add3A_11 : i32
    "tpu.region"() ({
      %run_scoped3A = tpu.sem_alloc : memref<!tpu.dma_semaphore, #tpu.memory_space<semaphore_mem>>
      %dma_start3A_155 = arith.constant 0 : i32
      %dma_start3A_156 = tpu.memref_slice %arg11[%add3A_12, %dma_start3A_155] : memref<10240x128xf32, #tpu.memory_space<vmem_shared>> -> memref<128x128xf32, #tpu.memory_space<vmem_shared>>
      %dma_start3A_157 = arith.constant 0 : i32
      %dma_start3A_158 = tpu.memref_slice %arg11[%add3A_12, %dma_start3A_157] : memref<10240x128xf32, #tpu.memory_space<vmem_shared>> -> memref<128x128xf32, #tpu.memory_space<vmem_shared>>
      tpu.enqueue_dma source(%arg9 : memref<128x128xf32, #tpu.memory_space<vmem>>) target(%dma_start3A_158 : memref<128x128xf32, #tpu.memory_space<vmem_shared>>) target_semaphore(%run_scoped3A : memref<!tpu.dma_semaphore, #tpu.memory_space<semaphore_mem>>)
      %dma_wait3A_159 = arith.constant 0 : i32
      %dma_wait3A_160 = tpu.memref_slice %arg11[%add3A_12, %dma_wait3A_159] : memref<10240x128xf32, #tpu.memory_space<vmem_shared>> -> memref<128x128xf32, #tpu.memory_space<vmem_shared>>
      %dma_wait3A_161 = arith.constant 0 : i32
      %dma_wait3A_162 = tpu.memref_slice %arg11[%add3A_12, %dma_wait3A_161] : memref<10240x128xf32, #tpu.memory_space<vmem_shared>> -> memref<128x128xf32, #tpu.memory_space<vmem_shared>>
      tpu.wait_dma2 semaphore(%run_scoped3A : memref<!tpu.dma_semaphore, #tpu.memory_space<semaphore_mem>>) src(%arg9 : memref<128x128xf32, #tpu.memory_space<vmem>>) dst(%dma_wait3A_162 : memref<128x128xf32, #tpu.memory_space<vmem_shared>>)
      tpu.yield
    }) : () -> ()
    %mul3A_13 = arith.constant 640 : i32
    %mul3A_14 = arith.muli %arg1, %mul3A_13 : i32
    %add3A_15 = arith.constant 384 : i32
    %add3A_16 = arith.addi %mul3A_14, %add3A_15 : i32
    "tpu.region"() ({
      %run_scoped3A = tpu.sem_alloc : memref<!tpu.dma_semaphore, #tpu.memory_space<semaphore_mem>>
      %dma_start3A_155 = arith.constant 0 : i32
      %dma_start3A_156 = tpu.memref_slice %arg11[%add3A_16, %dma_start3A_155] : memref<10240x128xf32, #tpu.memory_space<vmem_shared>> -> memref<128x128xf32, #tpu.memory_space<vmem_shared>>
      %dma_start3A_157 = arith.constant 0 : i32
      %dma_start3A_158 = tpu.memref_slice %arg11[%add3A_16, %dma_start3A_157] : memref<10240x128xf32, #tpu.memory_space<vmem_shared>> -> memref<128x128xf32, #tpu.memory_space<vmem_shared>>
      tpu.enqueue_dma source(%arg9 : memref<128x128xf32, #tpu.memory_space<vmem>>) target(%dma_start3A_158 : memref<128x128xf32, #tpu.memory_space<vmem_shared>>) target_semaphore(%run_scoped3A : memref<!tpu.dma_semaphore, #tpu.memory_space<semaphore_mem>>)
      %dma_wait3A_159 = arith.constant 0 : i32
      %dma_wait3A_160 = tpu.memref_slice %arg11[%add3A_16, %dma_wait3A_159] : memref<10240x128xf32, #tpu.memory_space<vmem_shared>> -> memref<128x128xf32, #tpu.memory_space<vmem_shared>>
      %dma_wait3A_161 = arith.constant 0 : i32
      %dma_wait3A_162 = tpu.memref_slice %arg11[%add3A_16, %dma_wait3A_161] : memref<10240x128xf32, #tpu.memory_space<vmem_shared>> -> memref<128x128xf32, #tpu.memory_space<vmem_shared>>
      tpu.wait_dma2 semaphore(%run_scoped3A : memref<!tpu.dma_semaphore, #tpu.memory_space<semaphore_mem>>) src(%arg9 : memref<128x128xf32, #tpu.memory_space<vmem>>) dst(%dma_wait3A_162 : memref<128x128xf32, #tpu.memory_space<vmem_shared>>)
      tpu.yield
    }) : () -> ()
    %mul3A_17 = arith.constant 640 : i32
    %mul3A_18 = arith.muli %arg1, %mul3A_17 : i32
    %add3A_19 = arith.constant 512 : i32
    %add3A_20 = arith.addi %mul3A_18, %add3A_19 : i32
    "tpu.region"() ({
      %run_scoped3A = tpu.sem_alloc : memref<!tpu.dma_semaphore, #tpu.memory_space<semaphore_mem>>
      %dma_start3A_155 = arith.constant 0 : i32
      %dma_start3A_156 = tpu.memref_slice %arg11[%add3A_20, %dma_start3A_155] : memref<10240x128xf32, #tpu.memory_space<vmem_shared>> -> memref<128x128xf32, #tpu.memory_space<vmem_shared>>
      %dma_start3A_157 = arith.constant 0 : i32
      %dma_start3A_158 = tpu.memref_slice %arg11[%add3A_20, %dma_start3A_157] : memref<10240x128xf32, #tpu.memory_space<vmem_shared>> -> memref<128x128xf32, #tpu.memory_space<vmem_shared>>
      tpu.enqueue_dma source(%arg9 : memref<128x128xf32, #tpu.memory_space<vmem>>) target(%dma_start3A_158 : memref<128x128xf32, #tpu.memory_space<vmem_shared>>) target_semaphore(%run_scoped3A : memref<!tpu.dma_semaphore, #tpu.memory_space<semaphore_mem>>)
      %dma_wait3A_159 = arith.constant 0 : i32
      %dma_wait3A_160 = tpu.memref_slice %arg11[%add3A_20, %dma_wait3A_159] : memref<10240x128xf32, #tpu.memory_space<vmem_shared>> -> memref<128x128xf32, #tpu.memory_space<vmem_shared>>
      %dma_wait3A_161 = arith.constant 0 : i32
      %dma_wait3A_162 = tpu.memref_slice %arg11[%add3A_20, %dma_wait3A_161] : memref<10240x128xf32, #tpu.memory_space<vmem_shared>> -> memref<128x128xf32, #tpu.memory_space<vmem_shared>>
      tpu.wait_dma2 semaphore(%run_scoped3A : memref<!tpu.dma_semaphore, #tpu.memory_space<semaphore_mem>>) src(%arg9 : memref<128x128xf32, #tpu.memory_space<vmem>>) dst(%dma_wait3A_162 : memref<128x128xf32, #tpu.memory_space<vmem_shared>>)
      tpu.yield
    }) : () -> ()
    %barrier3A = arith.constant 0 : index
    tpu.barrier barrier_id(%barrier3A)
    %scan3A = arith.constant 0 : i32
    %scan3A_21 = arith.constant 0 : i32
    %scan3A_22 = arith.constant 4 : i32
    %scan3A_23 = arith.addi %scan3A_21, %scan3A_22 : i32
    %scan3A_24 = arith.constant 1 : i32
    scf.for %scan3A_155 = %scan3A_21 to %scan3A_23 step %scan3A_24  : i32 {
      %mul3A_156 = arith.constant 40 : i32
      %mul3A_157 = arith.muli %scan3A_155, %mul3A_156 : i32
      "tpu.region"() ({
        %run_scoped3A_195 = tpu.sem_alloc : memref<!tpu.dma_semaphore, #tpu.memory_space<semaphore_mem>>
        %dma_start3A_196 = arith.constant 0 : i32
        %dma_start3A_197 = tpu.memref_slice %arg3[%add3A, %mul3A_157, %dma_start3A_196] : memref<32x160x128xi32, #tpu.memory_space<hbm>> -> memref<1x40x128xi32, #tpu.memory_space<hbm>>
        %dma_start3A_198 = tpu.memref_squeeze %dma_start3A_197 : memref<1x40x128xi32, #tpu.memory_space<hbm>> -> memref<40x128xi32, #tpu.memory_space<hbm>>
        %dma_start3A_199 = arith.constant 0 : i32
        %dma_start3A_200 = tpu.memref_slice %arg3[%add3A, %mul3A_157, %dma_start3A_199] : memref<32x160x128xi32, #tpu.memory_space<hbm>> -> memref<1x40x128xi32, #tpu.memory_space<hbm>>
        %dma_start3A_201 = tpu.memref_squeeze %dma_start3A_200 : memref<1x40x128xi32, #tpu.memory_space<hbm>> -> memref<40x128xi32, #tpu.memory_space<hbm>>
        tpu.enqueue_dma source(%dma_start3A_201 : memref<40x128xi32, #tpu.memory_space<hbm>>) target(%arg7 : memref<40x128xi32, #tpu.memory_space<vmem>>) target_semaphore(%run_scoped3A_195 : memref<!tpu.dma_semaphore, #tpu.memory_space<semaphore_mem>>)
        %dma_wait3A_202 = arith.constant 0 : i32
        %dma_wait3A_203 = tpu.memref_slice %arg3[%add3A, %mul3A_157, %dma_wait3A_202] : memref<32x160x128xi32, #tpu.memory_space<hbm>> -> memref<1x40x128xi32, #tpu.memory_space<hbm>>
        %dma_wait3A_204 = tpu.memref_squeeze %dma_wait3A_203 : memref<1x40x128xi32, #tpu.memory_space<hbm>> -> memref<40x128xi32, #tpu.memory_space<hbm>>
        %dma_wait3A_205 = arith.constant 0 : i32
        %dma_wait3A_206 = tpu.memref_slice %arg3[%add3A, %mul3A_157, %dma_wait3A_205] : memref<32x160x128xi32, #tpu.memory_space<hbm>> -> memref<1x40x128xi32, #tpu.memory_space<hbm>>
        %dma_wait3A_207 = tpu.memref_squeeze %dma_wait3A_206 : memref<1x40x128xi32, #tpu.memory_space<hbm>> -> memref<40x128xi32, #tpu.memory_space<hbm>>
        tpu.wait_dma2 semaphore(%run_scoped3A_195 : memref<!tpu.dma_semaphore, #tpu.memory_space<semaphore_mem>>) src(%dma_wait3A_207 : memref<40x128xi32, #tpu.memory_space<hbm>>) dst(%arg7 : memref<40x128xi32, #tpu.memory_space<vmem>>)
        tpu.yield
      }) : () -> ()
      %mul3A_158 = arith.constant 40 : i32
      %mul3A_159 = arith.muli %scan3A_155, %mul3A_158 : i32
      "tpu.region"() ({
        %run_scoped3A_195 = tpu.sem_alloc : memref<!tpu.dma_semaphore, #tpu.memory_space<semaphore_mem>>
        %dma_start3A_196 = arith.constant 0 : i32
        %dma_start3A_197 = tpu.memref_slice %arg4[%add3A, %mul3A_159, %dma_start3A_196] : memref<32x160x128xi32, #tpu.memory_space<hbm>> -> memref<1x40x128xi32, #tpu.memory_space<hbm>>
        %dma_start3A_198 = tpu.memref_squeeze %dma_start3A_197 : memref<1x40x128xi32, #tpu.memory_space<hbm>> -> memref<40x128xi32, #tpu.memory_space<hbm>>
        %dma_start3A_199 = arith.constant 0 : i32
        %dma_start3A_200 = tpu.memref_slice %arg4[%add3A, %mul3A_159, %dma_start3A_199] : memref<32x160x128xi32, #tpu.memory_space<hbm>> -> memref<1x40x128xi32, #tpu.memory_space<hbm>>
        %dma_start3A_201 = tpu.memref_squeeze %dma_start3A_200 : memref<1x40x128xi32, #tpu.memory_space<hbm>> -> memref<40x128xi32, #tpu.memory_space<hbm>>
        tpu.enqueue_dma source(%dma_start3A_201 : memref<40x128xi32, #tpu.memory_space<hbm>>) target(%arg8 : memref<40x128xi32, #tpu.memory_space<vmem>>) target_semaphore(%run_scoped3A_195 : memref<!tpu.dma_semaphore, #tpu.memory_space<semaphore_mem>>)
        %dma_wait3A_202 = arith.constant 0 : i32
        %dma_wait3A_203 = tpu.memref_slice %arg4[%add3A, %mul3A_159, %dma_wait3A_202] : memref<32x160x128xi32, #tpu.memory_space<hbm>> -> memref<1x40x128xi32, #tpu.memory_space<hbm>>
        %dma_wait3A_204 = tpu.memref_squeeze %dma_wait3A_203 : memref<1x40x128xi32, #tpu.memory_space<hbm>> -> memref<40x128xi32, #tpu.memory_space<hbm>>
        %dma_wait3A_205 = arith.constant 0 : i32
        %dma_wait3A_206 = tpu.memref_slice %arg4[%add3A, %mul3A_159, %dma_wait3A_205] : memref<32x160x128xi32, #tpu.memory_space<hbm>> -> memref<1x40x128xi32, #tpu.memory_space<hbm>>
        %dma_wait3A_207 = tpu.memref_squeeze %dma_wait3A_206 : memref<1x40x128xi32, #tpu.memory_space<hbm>> -> memref<40x128xi32, #tpu.memory_space<hbm>>
        tpu.wait_dma2 semaphore(%run_scoped3A_195 : memref<!tpu.dma_semaphore, #tpu.memory_space<semaphore_mem>>) src(%dma_wait3A_207 : memref<40x128xi32, #tpu.memory_space<hbm>>) dst(%arg8 : memref<40x128xi32, #tpu.memory_space<vmem>>)
        tpu.yield
      }) : () -> ()
      %dma_start3A_160 = arith.constant 0 : i32
      %dma_start3A_161 = arith.constant 0 : i32
      %dma_start3A_162 = tpu.memref_slice %arg7[%dma_start3A_160, %dma_start3A_161] : memref<40x128xi32, #tpu.memory_space<vmem>> -> memref<1x128xi32, #tpu.memory_space<vmem>>
      %dma_start3A_163 = tpu.memref_squeeze %dma_start3A_162 : memref<1x128xi32, #tpu.memory_space<vmem>> -> memref<128xi32, #tpu.memory_space<vmem>>
      %dma_start3A_164 = arith.constant 0 : i32
      %dma_start3A_165 = arith.constant 0 : i32
      %dma_start3A_166 = tpu.memref_slice %arg2[%dma_start3A_164, %dma_start3A_165] : memref<20480x128xf32, #tpu.memory_space<hbm>> -> memref<20480x128xf32, #tpu.memory_space<hbm>>
      tpu.enqueue_indirect_dma source(%dma_start3A_166 : memref<20480x128xf32, #tpu.memory_space<hbm>>) target(%arg9 : memref<128x128xf32, #tpu.memory_space<vmem>>) offsets(%dma_start3A_163 : memref<128xi32, #tpu.memory_space<vmem>>) semaphore(%arg12 : memref<!tpu.dma_semaphore, #tpu.memory_space<semaphore_mem>>)
      %dma_start3A_167 = arith.constant 1 : i32
      %dma_start3A_168 = arith.constant 0 : i32
      %dma_start3A_169 = tpu.memref_slice %arg7[%dma_start3A_167, %dma_start3A_168] : memref<40x128xi32, #tpu.memory_space<vmem>> -> memref<1x128xi32, #tpu.memory_space<vmem>>
      %dma_start3A_170 = tpu.memref_squeeze %dma_start3A_169 : memref<1x128xi32, #tpu.memory_space<vmem>> -> memref<128xi32, #tpu.memory_space<vmem>>
      %dma_start3A_171 = arith.constant 0 : i32
      %dma_start3A_172 = arith.constant 0 : i32
      %dma_start3A_173 = tpu.memref_slice %arg2[%dma_start3A_171, %dma_start3A_172] : memref<20480x128xf32, #tpu.memory_space<hbm>> -> memref<20480x128xf32, #tpu.memory_space<hbm>>
      tpu.enqueue_indirect_dma source(%dma_start3A_173 : memref<20480x128xf32, #tpu.memory_space<hbm>>) target(%arg10 : memref<128x128xf32, #tpu.memory_space<vmem>>) offsets(%dma_start3A_170 : memref<128xi32, #tpu.memory_space<vmem>>) semaphore(%arg13 : memref<!tpu.dma_semaphore, #tpu.memory_space<semaphore_mem>>)
      %scan3A_174 = arith.constant 0 : i32
      %scan3A_175 = arith.constant 0 : i32
      %scan3A_176 = arith.constant 19 : i32
      %scan3A_177 = arith.addi %scan3A_175, %scan3A_176 : i32
      %scan3A_178 = arith.constant 1 : i32
      scf.for %scan3A_195 = %scan3A_175 to %scan3A_177 step %scan3A_178  : i32 {
        %mul3A_196 = arith.constant 2 : i32
        %mul3A_197 = arith.muli %mul3A_196, %scan3A_195 : i32
        %dma_wait3A_198 = arith.constant 0 : i32
        %dma_wait3A_199 = tpu.memref_slice %arg7[%mul3A_197, %dma_wait3A_198] : memref<40x128xi32, #tpu.memory_space<vmem>> -> memref<1x128xi32, #tpu.memory_space<vmem>>
        %dma_wait3A_200 = tpu.memref_squeeze %dma_wait3A_199 : memref<1x128xi32, #tpu.memory_space<vmem>> -> memref<128xi32, #tpu.memory_space<vmem>>
        %dma_wait3A_201 = arith.constant 0 : i32
        %dma_wait3A_202 = arith.constant 0 : i32
        %dma_wait3A_203 = tpu.memref_slice %arg2[%dma_wait3A_201, %dma_wait3A_202] : memref<20480x128xf32, #tpu.memory_space<hbm>> -> memref<20480x128xf32, #tpu.memory_space<hbm>>
        tpu.wait_indirect_dma semaphore(%arg12 : memref<!tpu.dma_semaphore, #tpu.memory_space<semaphore_mem>>) src(%dma_wait3A_203 : memref<20480x128xf32, #tpu.memory_space<hbm>>) dst(%arg9 : memref<128x128xf32, #tpu.memory_space<vmem>>)
        "tpu.region"() ({
          %run_scoped3A_230 = tpu.sem_alloc : memref<!tpu.dma_semaphore, #tpu.memory_space<semaphore_mem>>
          %dma_start3A_231 = arith.constant 0 : i32
          %dma_start3A_232 = tpu.memref_slice %arg8[%mul3A_197, %dma_start3A_231] : memref<40x128xi32, #tpu.memory_space<vmem>> -> memref<1x128xi32, #tpu.memory_space<vmem>>
          %dma_start3A_233 = tpu.memref_squeeze %dma_start3A_232 : memref<1x128xi32, #tpu.memory_space<vmem>> -> memref<128xi32, #tpu.memory_space<vmem>>
          %dma_start3A_234 = arith.constant 0 : i32
          %dma_start3A_235 = arith.constant 0 : i32
          %dma_start3A_236 = tpu.memref_slice %arg11[%dma_start3A_234, %dma_start3A_235] : memref<10240x128xf32, #tpu.memory_space<vmem_shared>> -> memref<10240x128xf32, #tpu.memory_space<vmem_shared>>
          tpu.enqueue_indirect_dma source(%arg9 : memref<128x128xf32, #tpu.memory_space<vmem>>) target(%dma_start3A_236 : memref<10240x128xf32, #tpu.memory_space<vmem_shared>>) offsets(%dma_start3A_233 : memref<128xi32, #tpu.memory_space<vmem>>) semaphore(%run_scoped3A_230 : memref<!tpu.dma_semaphore, #tpu.memory_space<semaphore_mem>>) {add = true}
          %dma_wait3A_237 = arith.constant 0 : i32
          %dma_wait3A_238 = tpu.memref_slice %arg8[%mul3A_197, %dma_wait3A_237] : memref<40x128xi32, #tpu.memory_space<vmem>> -> memref<1x128xi32, #tpu.memory_space<vmem>>
          %dma_wait3A_239 = tpu.memref_squeeze %dma_wait3A_238 : memref<1x128xi32, #tpu.memory_space<vmem>> -> memref<128xi32, #tpu.memory_space<vmem>>
          %dma_wait3A_240 = arith.constant 0 : i32
          %dma_wait3A_241 = arith.constant 0 : i32
          %dma_wait3A_242 = tpu.memref_slice %arg11[%dma_wait3A_240, %dma_wait3A_241] : memref<10240x128xf32, #tpu.memory_space<vmem_shared>> -> memref<10240x128xf32, #tpu.memory_space<vmem_shared>>
          tpu.wait_indirect_dma semaphore(%run_scoped3A_230 : memref<!tpu.dma_semaphore, #tpu.memory_space<semaphore_mem>>) src(%arg9 : memref<128x128xf32, #tpu.memory_space<vmem>>) dst(%dma_wait3A_242 : memref<10240x128xf32, #tpu.memory_space<vmem_shared>>)
          tpu.yield
        }) : () -> ()
        %add3A_204 = arith.constant 2 : i32
        %add3A_205 = arith.addi %mul3A_197, %add3A_204 : i32
        %dma_start3A_206 = arith.constant 0 : i32
        %dma_start3A_207 = tpu.memref_slice %arg7[%add3A_205, %dma_start3A_206] : memref<40x128xi32, #tpu.memory_space<vmem>> -> memref<1x128xi32, #tpu.memory_space<vmem>>
        %dma_start3A_208 = tpu.memref_squeeze %dma_start3A_207 : memref<1x128xi32, #tpu.memory_space<vmem>> -> memref<128xi32, #tpu.memory_space<vmem>>
        %dma_start3A_209 = arith.constant 0 : i32
        %dma_start3A_210 = arith.constant 0 : i32
        %dma_start3A_211 = tpu.memref_slice %arg2[%dma_start3A_209, %dma_start3A_210] : memref<20480x128xf32, #tpu.memory_space<hbm>> -> memref<20480x128xf32, #tpu.memory_space<hbm>>
        tpu.enqueue_indirect_dma source(%dma_start3A_211 : memref<20480x128xf32, #tpu.memory_space<hbm>>) target(%arg9 : memref<128x128xf32, #tpu.memory_space<vmem>>) offsets(%dma_start3A_208 : memref<128xi32, #tpu.memory_space<vmem>>) semaphore(%arg12 : memref<!tpu.dma_semaphore, #tpu.memory_space<semaphore_mem>>)
        %add3A_212 = arith.constant 1 : i32
        %add3A_213 = arith.addi %mul3A_197, %add3A_212 : i32
        %dma_wait3A_214 = arith.constant 0 : i32
        %dma_wait3A_215 = tpu.memref_slice %arg7[%add3A_213, %dma_wait3A_214] : memref<40x128xi32, #tpu.memory_space<vmem>> -> memref<1x128xi32, #tpu.memory_space<vmem>>
        %dma_wait3A_216 = tpu.memref_squeeze %dma_wait3A_215 : memref<1x128xi32, #tpu.memory_space<vmem>> -> memref<128xi32, #tpu.memory_space<vmem>>
        %dma_wait3A_217 = arith.constant 0 : i32
        %dma_wait3A_218 = arith.constant 0 : i32
        %dma_wait3A_219 = tpu.memref_slice %arg2[%dma_wait3A_217, %dma_wait3A_218] : memref<20480x128xf32, #tpu.memory_space<hbm>> -> memref<20480x128xf32, #tpu.memory_space<hbm>>
        tpu.wait_indirect_dma semaphore(%arg13 : memref<!tpu.dma_semaphore, #tpu.memory_space<semaphore_mem>>) src(%dma_wait3A_219 : memref<20480x128xf32, #tpu.memory_space<hbm>>) dst(%arg10 : memref<128x128xf32, #tpu.memory_space<vmem>>)
        %add3A_220 = arith.constant 1 : i32
        %add3A_221 = arith.addi %mul3A_197, %add3A_220 : i32
        "tpu.region"() ({
          %run_scoped3A_230 = tpu.sem_alloc : memref<!tpu.dma_semaphore, #tpu.memory_space<semaphore_mem>>
          %dma_start3A_231 = arith.constant 0 : i32
          %dma_start3A_232 = tpu.memref_slice %arg8[%add3A_221, %dma_start3A_231] : memref<40x128xi32, #tpu.memory_space<vmem>> -> memref<1x128xi32, #tpu.memory_space<vmem>>
          %dma_start3A_233 = tpu.memref_squeeze %dma_start3A_232 : memref<1x128xi32, #tpu.memory_space<vmem>> -> memref<128xi32, #tpu.memory_space<vmem>>
          %dma_start3A_234 = arith.constant 0 : i32
          %dma_start3A_235 = arith.constant 0 : i32
          %dma_start3A_236 = tpu.memref_slice %arg11[%dma_start3A_234, %dma_start3A_235] : memref<10240x128xf32, #tpu.memory_space<vmem_shared>> -> memref<10240x128xf32, #tpu.memory_space<vmem_shared>>
          tpu.enqueue_indirect_dma source(%arg10 : memref<128x128xf32, #tpu.memory_space<vmem>>) target(%dma_start3A_236 : memref<10240x128xf32, #tpu.memory_space<vmem_shared>>) offsets(%dma_start3A_233 : memref<128xi32, #tpu.memory_space<vmem>>) semaphore(%run_scoped3A_230 : memref<!tpu.dma_semaphore, #tpu.memory_space<semaphore_mem>>) {add = true}
          %dma_wait3A_237 = arith.constant 0 : i32
          %dma_wait3A_238 = tpu.memref_slice %arg8[%add3A_221, %dma_wait3A_237] : memref<40x128xi32, #tpu.memory_space<vmem>> -> memref<1x128xi32, #tpu.memory_space<vmem>>
          %dma_wait3A_239 = tpu.memref_squeeze %dma_wait3A_238 : memref<1x128xi32, #tpu.memory_space<vmem>> -> memref<128xi32, #tpu.memory_space<vmem>>
          %dma_wait3A_240 = arith.constant 0 : i32
          %dma_wait3A_241 = arith.constant 0 : i32
          %dma_wait3A_242 = tpu.memref_slice %arg11[%dma_wait3A_240, %dma_wait3A_241] : memref<10240x128xf32, #tpu.memory_space<vmem_shared>> -> memref<10240x128xf32, #tpu.memory_space<vmem_shared>>
          tpu.wait_indirect_dma semaphore(%run_scoped3A_230 : memref<!tpu.dma_semaphore, #tpu.memory_space<semaphore_mem>>) src(%arg10 : memref<128x128xf32, #tpu.memory_space<vmem>>) dst(%dma_wait3A_242 : memref<10240x128xf32, #tpu.memory_space<vmem_shared>>)
          tpu.yield
        }) : () -> ()
        %add3A_222 = arith.constant 3 : i32
        %add3A_223 = arith.addi %mul3A_197, %add3A_222 : i32
        %dma_start3A_224 = arith.constant 0 : i32
        %dma_start3A_225 = tpu.memref_slice %arg7[%add3A_223, %dma_start3A_224] : memref<40x128xi32, #tpu.memory_space<vmem>> -> memref<1x128xi32, #tpu.memory_space<vmem>>
        %dma_start3A_226 = tpu.memref_squeeze %dma_start3A_225 : memref<1x128xi32, #tpu.memory_space<vmem>> -> memref<128xi32, #tpu.memory_space<vmem>>
        %dma_start3A_227 = arith.constant 0 : i32
        %dma_start3A_228 = arith.constant 0 : i32
        %dma_start3A_229 = tpu.memref_slice %arg2[%dma_start3A_227, %dma_start3A_228] : memref<20480x128xf32, #tpu.memory_space<hbm>> -> memref<20480x128xf32, #tpu.memory_space<hbm>>
        tpu.enqueue_indirect_dma source(%dma_start3A_229 : memref<20480x128xf32, #tpu.memory_space<hbm>>) target(%arg10 : memref<128x128xf32, #tpu.memory_space<vmem>>) offsets(%dma_start3A_226 : memref<128xi32, #tpu.memory_space<vmem>>) semaphore(%arg13 : memref<!tpu.dma_semaphore, #tpu.memory_space<semaphore_mem>>)
      }
      %scan3A_179 = arith.constant 19 : i32
      %dma_wait3A_180 = arith.constant 38 : i32
      %dma_wait3A_181 = arith.constant 0 : i32
      %dma_wait3A_182 = tpu.memref_slice %arg7[%dma_wait3A_180, %dma_wait3A_181] : memref<40x128xi32, #tpu.memory_space<vmem>> -> memref<1x128xi32, #tpu.memory_space<vmem>>
      %dma_wait3A_183 = tpu.memref_squeeze %dma_wait3A_182 : memref<1x128xi32, #tpu.memory_space<vmem>> -> memref<128xi32, #tpu.memory_space<vmem>>
      %dma_wait3A_184 = arith.constant 0 : i32
      %dma_wait3A_185 = arith.constant 0 : i32
      %dma_wait3A_186 = tpu.memref_slice %arg2[%dma_wait3A_184, %dma_wait3A_185] : memref<20480x128xf32, #tpu.memory_space<hbm>> -> memref<20480x128xf32, #tpu.memory_space<hbm>>
      tpu.wait_indirect_dma semaphore(%arg12 : memref<!tpu.dma_semaphore, #tpu.memory_space<semaphore_mem>>) src(%dma_wait3A_186 : memref<20480x128xf32, #tpu.memory_space<hbm>>) dst(%arg9 : memref<128x128xf32, #tpu.memory_space<vmem>>)
      %run_scoped3A = arith.constant 38 : i32
      "tpu.region"() ({
        %run_scoped3A_195 = tpu.sem_alloc : memref<!tpu.dma_semaphore, #tpu.memory_space<semaphore_mem>>
        %dma_start3A_196 = arith.constant 0 : i32
        %dma_start3A_197 = tpu.memref_slice %arg8[%run_scoped3A, %dma_start3A_196] : memref<40x128xi32, #tpu.memory_space<vmem>> -> memref<1x128xi32, #tpu.memory_space<vmem>>
        %dma_start3A_198 = tpu.memref_squeeze %dma_start3A_197 : memref<1x128xi32, #tpu.memory_space<vmem>> -> memref<128xi32, #tpu.memory_space<vmem>>
        %dma_start3A_199 = arith.constant 0 : i32
        %dma_start3A_200 = arith.constant 0 : i32
        %dma_start3A_201 = tpu.memref_slice %arg11[%dma_start3A_199, %dma_start3A_200] : memref<10240x128xf32, #tpu.memory_space<vmem_shared>> -> memref<10240x128xf32, #tpu.memory_space<vmem_shared>>
        tpu.enqueue_indirect_dma source(%arg9 : memref<128x128xf32, #tpu.memory_space<vmem>>) target(%dma_start3A_201 : memref<10240x128xf32, #tpu.memory_space<vmem_shared>>) offsets(%dma_start3A_198 : memref<128xi32, #tpu.memory_space<vmem>>) semaphore(%run_scoped3A_195 : memref<!tpu.dma_semaphore, #tpu.memory_space<semaphore_mem>>) {add = true}
        %dma_wait3A_202 = arith.constant 0 : i32
        %dma_wait3A_203 = tpu.memref_slice %arg8[%run_scoped3A, %dma_wait3A_202] : memref<40x128xi32, #tpu.memory_space<vmem>> -> memref<1x128xi32, #tpu.memory_space<vmem>>
        %dma_wait3A_204 = tpu.memref_squeeze %dma_wait3A_203 : memref<1x128xi32, #tpu.memory_space<vmem>> -> memref<128xi32, #tpu.memory_space<vmem>>
        %dma_wait3A_205 = arith.constant 0 : i32
        %dma_wait3A_206 = arith.constant 0 : i32
        %dma_wait3A_207 = tpu.memref_slice %arg11[%dma_wait3A_205, %dma_wait3A_206] : memref<10240x128xf32, #tpu.memory_space<vmem_shared>> -> memref<10240x128xf32, #tpu.memory_space<vmem_shared>>
        tpu.wait_indirect_dma semaphore(%run_scoped3A_195 : memref<!tpu.dma_semaphore, #tpu.memory_space<semaphore_mem>>) src(%arg9 : memref<128x128xf32, #tpu.memory_space<vmem>>) dst(%dma_wait3A_207 : memref<10240x128xf32, #tpu.memory_space<vmem_shared>>)
        tpu.yield
      }) : () -> ()
      %dma_wait3A_187 = arith.constant 39 : i32
      %dma_wait3A_188 = arith.constant 0 : i32
      %dma_wait3A_189 = tpu.memref_slice %arg7[%dma_wait3A_187, %dma_wait3A_188] : memref<40x128xi32, #tpu.memory_space<vmem>> -> memref<1x128xi32, #tpu.memory_space<vmem>>
      %dma_wait3A_190 = tpu.memref_squeeze %dma_wait3A_189 : memref<1x128xi32, #tpu.memory_space<vmem>> -> memref<128xi32, #tpu.memory_space<vmem>>
      %dma_wait3A_191 = arith.constant 0 : i32
      %dma_wait3A_192 = arith.constant 0 : i32
      %dma_wait3A_193 = tpu.memref_slice %arg2[%dma_wait3A_191, %dma_wait3A_192] : memref<20480x128xf32, #tpu.memory_space<hbm>> -> memref<20480x128xf32, #tpu.memory_space<hbm>>
      tpu.wait_indirect_dma semaphore(%arg13 : memref<!tpu.dma_semaphore, #tpu.memory_space<semaphore_mem>>) src(%dma_wait3A_193 : memref<20480x128xf32, #tpu.memory_space<hbm>>) dst(%arg10 : memref<128x128xf32, #tpu.memory_space<vmem>>)
      %run_scoped3A_194 = arith.constant 39 : i32
      "tpu.region"() ({
        %run_scoped3A_195 = tpu.sem_alloc : memref<!tpu.dma_semaphore, #tpu.memory_space<semaphore_mem>>
        %dma_start3A_196 = arith.constant 0 : i32
        %dma_start3A_197 = tpu.memref_slice %arg8[%run_scoped3A_194, %dma_start3A_196] : memref<40x128xi32, #tpu.memory_space<vmem>> -> memref<1x128xi32, #tpu.memory_space<vmem>>
        %dma_start3A_198 = tpu.memref_squeeze %dma_start3A_197 : memref<1x128xi32, #tpu.memory_space<vmem>> -> memref<128xi32, #tpu.memory_space<vmem>>
        %dma_start3A_199 = arith.constant 0 : i32
        %dma_start3A_200 = arith.constant 0 : i32
        %dma_start3A_201 = tpu.memref_slice %arg11[%dma_start3A_199, %dma_start3A_200] : memref<10240x128xf32, #tpu.memory_space<vmem_shared>> -> memref<10240x128xf32, #tpu.memory_space<vmem_shared>>
        tpu.enqueue_indirect_dma source(%arg10 : memref<128x128xf32, #tpu.memory_space<vmem>>) target(%dma_start3A_201 : memref<10240x128xf32, #tpu.memory_space<vmem_shared>>) offsets(%dma_start3A_198 : memref<128xi32, #tpu.memory_space<vmem>>) semaphore(%run_scoped3A_195 : memref<!tpu.dma_semaphore, #tpu.memory_space<semaphore_mem>>) {add = true}
        %dma_wait3A_202 = arith.constant 0 : i32
        %dma_wait3A_203 = tpu.memref_slice %arg8[%run_scoped3A_194, %dma_wait3A_202] : memref<40x128xi32, #tpu.memory_space<vmem>> -> memref<1x128xi32, #tpu.memory_space<vmem>>
        %dma_wait3A_204 = tpu.memref_squeeze %dma_wait3A_203 : memref<1x128xi32, #tpu.memory_space<vmem>> -> memref<128xi32, #tpu.memory_space<vmem>>
        %dma_wait3A_205 = arith.constant 0 : i32
        %dma_wait3A_206 = arith.constant 0 : i32
        %dma_wait3A_207 = tpu.memref_slice %arg11[%dma_wait3A_205, %dma_wait3A_206] : memref<10240x128xf32, #tpu.memory_space<vmem_shared>> -> memref<10240x128xf32, #tpu.memory_space<vmem_shared>>
        tpu.wait_indirect_dma semaphore(%run_scoped3A_195 : memref<!tpu.dma_semaphore, #tpu.memory_space<semaphore_mem>>) src(%arg10 : memref<128x128xf32, #tpu.memory_space<vmem>>) dst(%dma_wait3A_207 : memref<10240x128xf32, #tpu.memory_space<vmem_shared>>)
        tpu.yield
      }) : () -> ()
    }
    %scan3A_25 = arith.constant 4 : i32
    %barrier3A_26 = arith.constant 0 : index
    tpu.barrier barrier_id(%barrier3A_26)
    %mul3A_27 = arith.constant 10240 : i32
    %mul3A_28 = arith.muli %arg0, %mul3A_27 : i32
    %mul3A_29 = arith.constant 640 : i32
    %mul3A_30 = arith.muli %arg1, %mul3A_29 : i32
    %add3A_31 = arith.addi %mul3A_28, %mul3A_30 : i32
    %add3A_32 = arith.constant 0 : i32
    %add3A_33 = arith.addi %add3A_31, %add3A_32 : i32
    %mul3A_34 = arith.constant 640 : i32
    %mul3A_35 = arith.muli %arg1, %mul3A_34 : i32
    %add3A_36 = arith.constant 0 : i32
    %add3A_37 = arith.addi %mul3A_35, %add3A_36 : i32
    "tpu.region"() ({
      %run_scoped3A = tpu.sem_alloc : memref<!tpu.dma_semaphore, #tpu.memory_space<semaphore_mem>>
      %dma_start3A_155 = arith.constant 0 : i32
      %dma_start3A_156 = tpu.memref_slice %arg11[%add3A_37, %dma_start3A_155] : memref<10240x128xf32, #tpu.memory_space<vmem_shared>> -> memref<128x128xf32, #tpu.memory_space<vmem_shared>>
      %dma_start3A_157 = arith.constant 0 : i32
      %dma_start3A_158 = tpu.memref_slice %arg11[%add3A_37, %dma_start3A_157] : memref<10240x128xf32, #tpu.memory_space<vmem_shared>> -> memref<128x128xf32, #tpu.memory_space<vmem_shared>>
      tpu.enqueue_dma source(%dma_start3A_158 : memref<128x128xf32, #tpu.memory_space<vmem_shared>>) target(%arg9 : memref<128x128xf32, #tpu.memory_space<vmem>>) target_semaphore(%run_scoped3A : memref<!tpu.dma_semaphore, #tpu.memory_space<semaphore_mem>>)
      %dma_wait3A_159 = arith.constant 0 : i32
      %dma_wait3A_160 = tpu.memref_slice %arg11[%add3A_37, %dma_wait3A_159] : memref<10240x128xf32, #tpu.memory_space<vmem_shared>> -> memref<128x128xf32, #tpu.memory_space<vmem_shared>>
      %dma_wait3A_161 = arith.constant 0 : i32
      %dma_wait3A_162 = tpu.memref_slice %arg11[%add3A_37, %dma_wait3A_161] : memref<10240x128xf32, #tpu.memory_space<vmem_shared>> -> memref<128x128xf32, #tpu.memory_space<vmem_shared>>
      tpu.wait_dma2 semaphore(%run_scoped3A : memref<!tpu.dma_semaphore, #tpu.memory_space<semaphore_mem>>) src(%dma_wait3A_162 : memref<128x128xf32, #tpu.memory_space<vmem_shared>>) dst(%arg9 : memref<128x128xf32, #tpu.memory_space<vmem>>)
      tpu.yield
    }) : () -> ()
    %dma_start3A = arith.constant 0 : i32
    %dma_start3A_38 = tpu.memref_slice %arg6[%add3A_33, %dma_start3A] : memref<20480x128xf32, #tpu.memory_space<hbm>> -> memref<128x128xf32, #tpu.memory_space<hbm>>
    %dma_start3A_39 = arith.constant 0 : i32
    %dma_start3A_40 = tpu.memref_slice %arg6[%add3A_33, %dma_start3A_39] : memref<20480x128xf32, #tpu.memory_space<hbm>> -> memref<128x128xf32, #tpu.memory_space<hbm>>
    tpu.enqueue_dma source(%arg9 : memref<128x128xf32, #tpu.memory_space<vmem>>) target(%dma_start3A_40 : memref<128x128xf32, #tpu.memory_space<hbm>>) target_semaphore(%arg12 : memref<!tpu.dma_semaphore, #tpu.memory_space<semaphore_mem>>)
    %mul3A_41 = arith.constant 10240 : i32
    %mul3A_42 = arith.muli %arg0, %mul3A_41 : i32
    %mul3A_43 = arith.constant 640 : i32
    %mul3A_44 = arith.muli %arg1, %mul3A_43 : i32
    %add3A_45 = arith.addi %mul3A_42, %mul3A_44 : i32
    %add3A_46 = arith.constant 128 : i32
    %add3A_47 = arith.addi %add3A_45, %add3A_46 : i32
    %mul3A_48 = arith.constant 640 : i32
    %mul3A_49 = arith.muli %arg1, %mul3A_48 : i32
    %add3A_50 = arith.constant 128 : i32
    %add3A_51 = arith.addi %mul3A_49, %add3A_50 : i32
    "tpu.region"() ({
      %run_scoped3A = tpu.sem_alloc : memref<!tpu.dma_semaphore, #tpu.memory_space<semaphore_mem>>
      %dma_start3A_155 = arith.constant 0 : i32
      %dma_start3A_156 = tpu.memref_slice %arg11[%add3A_51, %dma_start3A_155] : memref<10240x128xf32, #tpu.memory_space<vmem_shared>> -> memref<128x128xf32, #tpu.memory_space<vmem_shared>>
      %dma_start3A_157 = arith.constant 0 : i32
      %dma_start3A_158 = tpu.memref_slice %arg11[%add3A_51, %dma_start3A_157] : memref<10240x128xf32, #tpu.memory_space<vmem_shared>> -> memref<128x128xf32, #tpu.memory_space<vmem_shared>>
      tpu.enqueue_dma source(%dma_start3A_158 : memref<128x128xf32, #tpu.memory_space<vmem_shared>>) target(%arg10 : memref<128x128xf32, #tpu.memory_space<vmem>>) target_semaphore(%run_scoped3A : memref<!tpu.dma_semaphore, #tpu.memory_space<semaphore_mem>>)
      %dma_wait3A_159 = arith.constant 0 : i32
      %dma_wait3A_160 = tpu.memref_slice %arg11[%add3A_51, %dma_wait3A_159] : memref<10240x128xf32, #tpu.memory_space<vmem_shared>> -> memref<128x128xf32, #tpu.memory_space<vmem_shared>>
      %dma_wait3A_161 = arith.constant 0 : i32
      %dma_wait3A_162 = tpu.memref_slice %arg11[%add3A_51, %dma_wait3A_161] : memref<10240x128xf32, #tpu.memory_space<vmem_shared>> -> memref<128x128xf32, #tpu.memory_space<vmem_shared>>
      tpu.wait_dma2 semaphore(%run_scoped3A : memref<!tpu.dma_semaphore, #tpu.memory_space<semaphore_mem>>) src(%dma_wait3A_162 : memref<128x128xf32, #tpu.memory_space<vmem_shared>>) dst(%arg10 : memref<128x128xf32, #tpu.memory_space<vmem>>)
      tpu.yield
    }) : () -> ()
    %dma_start3A_52 = arith.constant 0 : i32
    %dma_start3A_53 = tpu.memref_slice %arg6[%add3A_47, %dma_start3A_52] : memref<20480x128xf32, #tpu.memory_space<hbm>> -> memref<128x128xf32, #tpu.memory_space<hbm>>
    %dma_start3A_54 = arith.constant 0 : i32
    %dma_start3A_55 = tpu.memref_slice %arg6[%add3A_47, %dma_start3A_54] : memref<20480x128xf32, #tpu.memory_space<hbm>> -> memref<128x128xf32, #tpu.memory_space<hbm>>
    tpu.enqueue_dma source(%arg10 : memref<128x128xf32, #tpu.memory_space<vmem>>) target(%dma_start3A_55 : memref<128x128xf32, #tpu.memory_space<hbm>>) target_semaphore(%arg13 : memref<!tpu.dma_semaphore, #tpu.memory_space<semaphore_mem>>)
    %mul3A_56 = arith.constant 10240 : i32
    %mul3A_57 = arith.muli %arg0, %mul3A_56 : i32
    %mul3A_58 = arith.constant 640 : i32
    %mul3A_59 = arith.muli %arg1, %mul3A_58 : i32
    %add3A_60 = arith.addi %mul3A_57, %mul3A_59 : i32
    %add3A_61 = arith.constant 0 : i32
    %add3A_62 = arith.addi %add3A_60, %add3A_61 : i32
    %dma_wait3A = arith.constant 0 : i32
    %dma_wait3A_63 = tpu.memref_slice %arg6[%add3A_62, %dma_wait3A] : memref<20480x128xf32, #tpu.memory_space<hbm>> -> memref<128x128xf32, #tpu.memory_space<hbm>>
    %dma_wait3A_64 = arith.constant 0 : i32
    %dma_wait3A_65 = tpu.memref_slice %arg6[%add3A_62, %dma_wait3A_64] : memref<20480x128xf32, #tpu.memory_space<hbm>> -> memref<128x128xf32, #tpu.memory_space<hbm>>
    tpu.wait_dma2 semaphore(%arg12 : memref<!tpu.dma_semaphore, #tpu.memory_space<semaphore_mem>>) src(%arg9 : memref<128x128xf32, #tpu.memory_space<vmem>>) dst(%dma_wait3A_65 : memref<128x128xf32, #tpu.memory_space<hbm>>)
    %mul3A_66 = arith.constant 10240 : i32
    %mul3A_67 = arith.muli %arg0, %mul3A_66 : i32
    %mul3A_68 = arith.constant 640 : i32
    %mul3A_69 = arith.muli %arg1, %mul3A_68 : i32
    %add3A_70 = arith.addi %mul3A_67, %mul3A_69 : i32
    %add3A_71 = arith.constant 256 : i32
    %add3A_72 = arith.addi %add3A_70, %add3A_71 : i32
    %mul3A_73 = arith.constant 640 : i32
    %mul3A_74 = arith.muli %arg1, %mul3A_73 : i32
    %add3A_75 = arith.constant 256 : i32
    %add3A_76 = arith.addi %mul3A_74, %add3A_75 : i32
    "tpu.region"() ({
      %run_scoped3A = tpu.sem_alloc : memref<!tpu.dma_semaphore, #tpu.memory_space<semaphore_mem>>
      %dma_start3A_155 = arith.constant 0 : i32
      %dma_start3A_156 = tpu.memref_slice %arg11[%add3A_76, %dma_start3A_155] : memref<10240x128xf32, #tpu.memory_space<vmem_shared>> -> memref<128x128xf32, #tpu.memory_space<vmem_shared>>
      %dma_start3A_157 = arith.constant 0 : i32
      %dma_start3A_158 = tpu.memref_slice %arg11[%add3A_76, %dma_start3A_157] : memref<10240x128xf32, #tpu.memory_space<vmem_shared>> -> memref<128x128xf32, #tpu.memory_space<vmem_shared>>
      tpu.enqueue_dma source(%dma_start3A_158 : memref<128x128xf32, #tpu.memory_space<vmem_shared>>) target(%arg9 : memref<128x128xf32, #tpu.memory_space<vmem>>) target_semaphore(%run_scoped3A : memref<!tpu.dma_semaphore, #tpu.memory_space<semaphore_mem>>)
      %dma_wait3A_159 = arith.constant 0 : i32
      %dma_wait3A_160 = tpu.memref_slice %arg11[%add3A_76, %dma_wait3A_159] : memref<10240x128xf32, #tpu.memory_space<vmem_shared>> -> memref<128x128xf32, #tpu.memory_space<vmem_shared>>
      %dma_wait3A_161 = arith.constant 0 : i32
      %dma_wait3A_162 = tpu.memref_slice %arg11[%add3A_76, %dma_wait3A_161] : memref<10240x128xf32, #tpu.memory_space<vmem_shared>> -> memref<128x128xf32, #tpu.memory_space<vmem_shared>>
      tpu.wait_dma2 semaphore(%run_scoped3A : memref<!tpu.dma_semaphore, #tpu.memory_space<semaphore_mem>>) src(%dma_wait3A_162 : memref<128x128xf32, #tpu.memory_space<vmem_shared>>) dst(%arg9 : memref<128x128xf32, #tpu.memory_space<vmem>>)
      tpu.yield
    }) : () -> ()
    %dma_start3A_77 = arith.constant 0 : i32
    %dma_start3A_78 = tpu.memref_slice %arg6[%add3A_72, %dma_start3A_77] : memref<20480x128xf32, #tpu.memory_space<hbm>> -> memref<128x128xf32, #tpu.memory_space<hbm>>
    %dma_start3A_79 = arith.constant 0 : i32
    %dma_start3A_80 = tpu.memref_slice %arg6[%add3A_72, %dma_start3A_79] : memref<20480x128xf32, #tpu.memory_space<hbm>> -> memref<128x128xf32, #tpu.memory_space<hbm>>
    tpu.enqueue_dma source(%arg9 : memref<128x128xf32, #tpu.memory_space<vmem>>) target(%dma_start3A_80 : memref<128x128xf32, #tpu.memory_space<hbm>>) target_semaphore(%arg12 : memref<!tpu.dma_semaphore, #tpu.memory_space<semaphore_mem>>)
    %mul3A_81 = arith.constant 10240 : i32
    %mul3A_82 = arith.muli %arg0, %mul3A_81 : i32
    %mul3A_83 = arith.constant 640 : i32
    %mul3A_84 = arith.muli %arg1, %mul3A_83 : i32
    %add3A_85 = arith.addi %mul3A_82, %mul3A_84 : i32
    %add3A_86 = arith.constant 128 : i32
    %add3A_87 = arith.addi %add3A_85, %add3A_86 : i32
    %dma_wait3A_88 = arith.constant 0 : i32
    %dma_wait3A_89 = tpu.memref_slice %arg6[%add3A_87, %dma_wait3A_88] : memref<20480x128xf32, #tpu.memory_space<hbm>> -> memref<128x128xf32, #tpu.memory_space<hbm>>
    %dma_wait3A_90 = arith.constant 0 : i32
    %dma_wait3A_91 = tpu.memref_slice %arg6[%add3A_87, %dma_wait3A_90] : memref<20480x128xf32, #tpu.memory_space<hbm>> -> memref<128x128xf32, #tpu.memory_space<hbm>>
    tpu.wait_dma2 semaphore(%arg13 : memref<!tpu.dma_semaphore, #tpu.memory_space<semaphore_mem>>) src(%arg10 : memref<128x128xf32, #tpu.memory_space<vmem>>) dst(%dma_wait3A_91 : memref<128x128xf32, #tpu.memory_space<hbm>>)
    %mul3A_92 = arith.constant 10240 : i32
    %mul3A_93 = arith.muli %arg0, %mul3A_92 : i32
    %mul3A_94 = arith.constant 640 : i32
    %mul3A_95 = arith.muli %arg1, %mul3A_94 : i32
    %add3A_96 = arith.addi %mul3A_93, %mul3A_95 : i32
    %add3A_97 = arith.constant 384 : i32
    %add3A_98 = arith.addi %add3A_96, %add3A_97 : i32
    %mul3A_99 = arith.constant 640 : i32
    %mul3A_100 = arith.muli %arg1, %mul3A_99 : i32
    %add3A_101 = arith.constant 384 : i32
    %add3A_102 = arith.addi %mul3A_100, %add3A_101 : i32
    "tpu.region"() ({
      %run_scoped3A = tpu.sem_alloc : memref<!tpu.dma_semaphore, #tpu.memory_space<semaphore_mem>>
      %dma_start3A_155 = arith.constant 0 : i32
      %dma_start3A_156 = tpu.memref_slice %arg11[%add3A_102, %dma_start3A_155] : memref<10240x128xf32, #tpu.memory_space<vmem_shared>> -> memref<128x128xf32, #tpu.memory_space<vmem_shared>>
      %dma_start3A_157 = arith.constant 0 : i32
      %dma_start3A_158 = tpu.memref_slice %arg11[%add3A_102, %dma_start3A_157] : memref<10240x128xf32, #tpu.memory_space<vmem_shared>> -> memref<128x128xf32, #tpu.memory_space<vmem_shared>>
      tpu.enqueue_dma source(%dma_start3A_158 : memref<128x128xf32, #tpu.memory_space<vmem_shared>>) target(%arg10 : memref<128x128xf32, #tpu.memory_space<vmem>>) target_semaphore(%run_scoped3A : memref<!tpu.dma_semaphore, #tpu.memory_space<semaphore_mem>>)
      %dma_wait3A_159 = arith.constant 0 : i32
      %dma_wait3A_160 = tpu.memref_slice %arg11[%add3A_102, %dma_wait3A_159] : memref<10240x128xf32, #tpu.memory_space<vmem_shared>> -> memref<128x128xf32, #tpu.memory_space<vmem_shared>>
      %dma_wait3A_161 = arith.constant 0 : i32
      %dma_wait3A_162 = tpu.memref_slice %arg11[%add3A_102, %dma_wait3A_161] : memref<10240x128xf32, #tpu.memory_space<vmem_shared>> -> memref<128x128xf32, #tpu.memory_space<vmem_shared>>
      tpu.wait_dma2 semaphore(%run_scoped3A : memref<!tpu.dma_semaphore, #tpu.memory_space<semaphore_mem>>) src(%dma_wait3A_162 : memref<128x128xf32, #tpu.memory_space<vmem_shared>>) dst(%arg10 : memref<128x128xf32, #tpu.memory_space<vmem>>)
      tpu.yield
    }) : () -> ()
    %dma_start3A_103 = arith.constant 0 : i32
    %dma_start3A_104 = tpu.memref_slice %arg6[%add3A_98, %dma_start3A_103] : memref<20480x128xf32, #tpu.memory_space<hbm>> -> memref<128x128xf32, #tpu.memory_space<hbm>>
    %dma_start3A_105 = arith.constant 0 : i32
    %dma_start3A_106 = tpu.memref_slice %arg6[%add3A_98, %dma_start3A_105] : memref<20480x128xf32, #tpu.memory_space<hbm>> -> memref<128x128xf32, #tpu.memory_space<hbm>>
    tpu.enqueue_dma source(%arg10 : memref<128x128xf32, #tpu.memory_space<vmem>>) target(%dma_start3A_106 : memref<128x128xf32, #tpu.memory_space<hbm>>) target_semaphore(%arg13 : memref<!tpu.dma_semaphore, #tpu.memory_space<semaphore_mem>>)
    %mul3A_107 = arith.constant 10240 : i32
    %mul3A_108 = arith.muli %arg0, %mul3A_107 : i32
    %mul3A_109 = arith.constant 640 : i32
    %mul3A_110 = arith.muli %arg1, %mul3A_109 : i32
    %add3A_111 = arith.addi %mul3A_108, %mul3A_110 : i32
    %add3A_112 = arith.constant 256 : i32
    %add3A_113 = arith.addi %add3A_111, %add3A_112 : i32
    %dma_wait3A_114 = arith.constant 0 : i32
    %dma_wait3A_115 = tpu.memref_slice %arg6[%add3A_113, %dma_wait3A_114] : memref<20480x128xf32, #tpu.memory_space<hbm>> -> memref<128x128xf32, #tpu.memory_space<hbm>>
    %dma_wait3A_116 = arith.constant 0 : i32
    %dma_wait3A_117 = tpu.memref_slice %arg6[%add3A_113, %dma_wait3A_116] : memref<20480x128xf32, #tpu.memory_space<hbm>> -> memref<128x128xf32, #tpu.memory_space<hbm>>
    tpu.wait_dma2 semaphore(%arg12 : memref<!tpu.dma_semaphore, #tpu.memory_space<semaphore_mem>>) src(%arg9 : memref<128x128xf32, #tpu.memory_space<vmem>>) dst(%dma_wait3A_117 : memref<128x128xf32, #tpu.memory_space<hbm>>)
    %mul3A_118 = arith.constant 10240 : i32
    %mul3A_119 = arith.muli %arg0, %mul3A_118 : i32
    %mul3A_120 = arith.constant 640 : i32
    %mul3A_121 = arith.muli %arg1, %mul3A_120 : i32
    %add3A_122 = arith.addi %mul3A_119, %mul3A_121 : i32
    %add3A_123 = arith.constant 512 : i32
    %add3A_124 = arith.addi %add3A_122, %add3A_123 : i32
    %mul3A_125 = arith.constant 640 : i32
    %mul3A_126 = arith.muli %arg1, %mul3A_125 : i32
    %add3A_127 = arith.constant 512 : i32
    %add3A_128 = arith.addi %mul3A_126, %add3A_127 : i32
    "tpu.region"() ({
      %run_scoped3A = tpu.sem_alloc : memref<!tpu.dma_semaphore, #tpu.memory_space<semaphore_mem>>
      %dma_start3A_155 = arith.constant 0 : i32
      %dma_start3A_156 = tpu.memref_slice %arg11[%add3A_128, %dma_start3A_155] : memref<10240x128xf32, #tpu.memory_space<vmem_shared>> -> memref<128x128xf32, #tpu.memory_space<vmem_shared>>
      %dma_start3A_157 = arith.constant 0 : i32
      %dma_start3A_158 = tpu.memref_slice %arg11[%add3A_128, %dma_start3A_157] : memref<10240x128xf32, #tpu.memory_space<vmem_shared>> -> memref<128x128xf32, #tpu.memory_space<vmem_shared>>
      tpu.enqueue_dma source(%dma_start3A_158 : memref<128x128xf32, #tpu.memory_space<vmem_shared>>) target(%arg9 : memref<128x128xf32, #tpu.memory_space<vmem>>) target_semaphore(%run_scoped3A : memref<!tpu.dma_semaphore, #tpu.memory_space<semaphore_mem>>)
      %dma_wait3A_159 = arith.constant 0 : i32
      %dma_wait3A_160 = tpu.memref_slice %arg11[%add3A_128, %dma_wait3A_159] : memref<10240x128xf32, #tpu.memory_space<vmem_shared>> -> memref<128x128xf32, #tpu.memory_space<vmem_shared>>
      %dma_wait3A_161 = arith.constant 0 : i32
      %dma_wait3A_162 = tpu.memref_slice %arg11[%add3A_128, %dma_wait3A_161] : memref<10240x128xf32, #tpu.memory_space<vmem_shared>> -> memref<128x128xf32, #tpu.memory_space<vmem_shared>>
      tpu.wait_dma2 semaphore(%run_scoped3A : memref<!tpu.dma_semaphore, #tpu.memory_space<semaphore_mem>>) src(%dma_wait3A_162 : memref<128x128xf32, #tpu.memory_space<vmem_shared>>) dst(%arg9 : memref<128x128xf32, #tpu.memory_space<vmem>>)
      tpu.yield
    }) : () -> ()
    %dma_start3A_129 = arith.constant 0 : i32
    %dma_start3A_130 = tpu.memref_slice %arg6[%add3A_124, %dma_start3A_129] : memref<20480x128xf32, #tpu.memory_space<hbm>> -> memref<128x128xf32, #tpu.memory_space<hbm>>
    %dma_start3A_131 = arith.constant 0 : i32
    %dma_start3A_132 = tpu.memref_slice %arg6[%add3A_124, %dma_start3A_131] : memref<20480x128xf32, #tpu.memory_space<hbm>> -> memref<128x128xf32, #tpu.memory_space<hbm>>
    tpu.enqueue_dma source(%arg9 : memref<128x128xf32, #tpu.memory_space<vmem>>) target(%dma_start3A_132 : memref<128x128xf32, #tpu.memory_space<hbm>>) target_semaphore(%arg12 : memref<!tpu.dma_semaphore, #tpu.memory_space<semaphore_mem>>)
    %mul3A_133 = arith.constant 10240 : i32
    %mul3A_134 = arith.muli %arg0, %mul3A_133 : i32
    %mul3A_135 = arith.constant 640 : i32
    %mul3A_136 = arith.muli %arg1, %mul3A_135 : i32
    %add3A_137 = arith.addi %mul3A_134, %mul3A_136 : i32
    %add3A_138 = arith.constant 384 : i32
    %add3A_139 = arith.addi %add3A_137, %add3A_138 : i32
    %dma_wait3A_140 = arith.constant 0 : i32
    %dma_wait3A_141 = tpu.memref_slice %arg6[%add3A_139, %dma_wait3A_140] : memref<20480x128xf32, #tpu.memory_space<hbm>> -> memref<128x128xf32, #tpu.memory_space<hbm>>
    %dma_wait3A_142 = arith.constant 0 : i32
    %dma_wait3A_143 = tpu.memref_slice %arg6[%add3A_139, %dma_wait3A_142] : memref<20480x128xf32, #tpu.memory_space<hbm>> -> memref<128x128xf32, #tpu.memory_space<hbm>>
    tpu.wait_dma2 semaphore(%arg13 : memref<!tpu.dma_semaphore, #tpu.memory_space<semaphore_mem>>) src(%arg10 : memref<128x128xf32, #tpu.memory_space<vmem>>) dst(%dma_wait3A_143 : memref<128x128xf32, #tpu.memory_space<hbm>>)
    %mul3A_144 = arith.constant 10240 : i32
    %mul3A_145 = arith.muli %arg0, %mul3A_144 : i32
    %mul3A_146 = arith.constant 640 : i32
    %mul3A_147 = arith.muli %arg1, %mul3A_146 : i32
    %add3A_148 = arith.addi %mul3A_145, %mul3A_147 : i32
    %add3A_149 = arith.constant 512 : i32
    %add3A_150 = arith.addi %add3A_148, %add3A_149 : i32
    %dma_wait3A_151 = arith.constant 0 : i32
    %dma_wait3A_152 = tpu.memref_slice %arg6[%add3A_150, %dma_wait3A_151] : memref<20480x128xf32, #tpu.memory_space<hbm>> -> memref<128x128xf32, #tpu.memory_space<hbm>>
    %dma_wait3A_153 = arith.constant 0 : i32
    %dma_wait3A_154 = tpu.memref_slice %arg6[%add3A_150, %dma_wait3A_153] : memref<20480x128xf32, #tpu.memory_space<hbm>> -> memref<128x128xf32, #tpu.memory_space<hbm>>
    tpu.wait_dma2 semaphore(%arg12 : memref<!tpu.dma_semaphore, #tpu.memory_space<semaphore_mem>>) src(%arg9 : memref<128x128xf32, #tpu.memory_space<vmem>>) dst(%dma_wait3A_154 : memref<128x128xf32, #tpu.memory_space<hbm>>)
    return
  }
}

module attributes {stable_mosaic.version = 14 : i64} {
  func.func @_deg_body(%arg0: i32, %arg1: memref<1x16x10240xf32, #tpu.memory_space<vmem>>, %arg2: memref<1x1x10240xf32, #tpu.memory_space<vmem>>) attributes {dimension_semantics = [#tpu.dimension_semantics<arbitrary>], iteration_bounds = array<i64: 2>, scalar_prefetch = 0 : i64, scratch_operands = 0 : i64, tpu.core_type = #tpu.core_type<tc>, window_params = [{transform_indices = @transform_0, window_bounds = array<i64: 1, 16, 10240>}, {transform_indices = @transform_1, window_bounds = array<i64: 1, 1, 10240>}]} {
    %get3A = arith.constant 0 : index
    %get3A_0 = arith.constant 0 : index
    %get3A_1 = arith.constant 0 : index
    %get3A_2 = vector.load %arg1[%get3A, %get3A_0, %get3A_1] : memref<1x16x10240xf32, #tpu.memory_space<vmem>>, vector<1x16x10240xf32>
    %get3A_3 = vector.shape_cast %get3A_2 : vector<1x16x10240xf32> to vector<16x10240xf32>
    %reduce_sum3A = arith.constant dense<0.000000e+00> : vector<10240xf32>
    %reduce_sum3A_4 = vector.multi_reduction <add>, %get3A_3, %reduce_sum3A [0] : vector<16x10240xf32> to vector<10240xf32>
    %swap3A = arith.constant 0 : index
    %swap3A_5 = arith.constant 0 : index
    %swap3A_6 = arith.constant 0 : index
    %swap3A_7 = vector.load %arg2[%swap3A, %swap3A_5, %swap3A_6] : memref<1x1x10240xf32, #tpu.memory_space<vmem>>, vector<1x1x10240xf32>
    %swap3A_8 = vector.shape_cast %swap3A_7 : vector<1x1x10240xf32> to vector<10240xf32>
    %swap3A_9 = vector.shape_cast %reduce_sum3A_4 : vector<10240xf32> to vector<1x1x10240xf32>
    tpu.vector_store %arg2[%swap3A, %swap3A_5, %swap3A_6], %swap3A_9 {strides = array<i32>} : memref<1x1x10240xf32, #tpu.memory_space<vmem>>, vector<1x1x10240xf32>,
    return
  }
  func.func @transform_0(%arg0: i32) -> (i32, i32, i32) {
    %c0_i32 = arith.constant 0 : i32
    %c0_i32_0 = arith.constant 0 : i32
    %c0_i32_1 = arith.constant 0 : i32
    return %arg0, %c0_i32, %c0_i32_0 : i32, i32, i32
  }
  func.func @transform_1(%arg0: i32) -> (i32, i32, i32) {
    %c0_i32 = arith.constant 0 : i32
    %c0_i32_0 = arith.constant 0 : i32
    %c0_i32_1 = arith.constant 0 : i32
    return %arg0, %c0_i32, %c0_i32_0 : i32, i32, i32
  }
}

module attributes {stable_mosaic.version = 14 : i64} {
  func.func @_lin_body(%arg0: i32, %arg1: i32, %arg2: memref<1x1000x128xf32, #tpu.memory_space<vmem>>, %arg3: memref<1x128x128xf32, #tpu.memory_space<vmem>>, %arg4: memref<1x1x128xf32, #tpu.memory_space<vmem>>, %arg5: memref<1x1x1000xf32, #tpu.memory_space<vmem>>, %arg6: memref<1x1000x128xf32, #tpu.memory_space<vmem>>, %arg7: memref<1x1000x128xf32, #tpu.memory_space<vmem>>) attributes {dimension_semantics = [#tpu.dimension_semantics<arbitrary>, #tpu.dimension_semantics<arbitrary>], iteration_bounds = array<i64: 2, 10>, scalar_prefetch = 0 : i64, scratch_operands = 0 : i64, tpu.core_type = #tpu.core_type<tc>, window_params = [{transform_indices = @transform_0, window_bounds = array<i64: 1, 1000, 128>}, {transform_indices = @transform_1, window_bounds = array<i64: 1, 128, 128>}, {transform_indices = @transform_2, window_bounds = array<i64: 1, 1, 128>}, {transform_indices = @transform_3, window_bounds = array<i64: 1, 1, 1000>}, {transform_indices = @transform_4, window_bounds = array<i64: 1, 1000, 128>}, {transform_indices = @transform_5, window_bounds = array<i64: 1, 1000, 128>}]} {
    %get3A = arith.constant 0 : index
    %get3A_0 = arith.constant 0 : index
    %get3A_1 = arith.constant 0 : index
    %get3A_2 = vector.load %arg2[%get3A, %get3A_0, %get3A_1] : memref<1x1000x128xf32, #tpu.memory_space<vmem>>, vector<1x1000x128xf32>
    %get3A_3 = vector.shape_cast %get3A_2 : vector<1x1000x128xf32> to vector<1000x128xf32>
    %get3A_4 = arith.constant 0 : index
    %get3A_5 = arith.constant 0 : index
    %get3A_6 = arith.constant 0 : index
    %get3A_7 = vector.load %arg3[%get3A_4, %get3A_5, %get3A_6] : memref<1x128x128xf32, #tpu.memory_space<vmem>>, vector<1x128x128xf32>
    %get3A_8 = vector.shape_cast %get3A_7 : vector<1x128x128xf32> to vector<128x128xf32>
    %dot_general3A = arith.constant dense<0.000000e+00> : vector<1000x128xf32>
    %dot_general3A_9 = tpu.matmul %get3A_3, %get3A_8, %dot_general3A {dimension_numbers = #tpu.dot_dimension_numbers<[1], [0], [0], [1], [0, 0, 1, 1], [], []>, transpose_lhs_hint = false} : vector<1000x128xf32>, vector<128x128xf32>, vector<1000x128xf32> -> vector<1000x128xf32>
    %get3A_10 = arith.constant 0 : index
    %get3A_11 = arith.constant 0 : index
    %get3A_12 = arith.constant 0 : index
    %get3A_13 = vector.load %arg4[%get3A_10, %get3A_11, %get3A_12] : memref<1x1x128xf32, #tpu.memory_space<vmem>>, vector<1x1x128xf32>
    %get3A_14 = vector.shape_cast %get3A_13 : vector<1x1x128xf32> to vector<128xf32>
    %broadcast_in_dim3A = vector.shape_cast %get3A_14 : vector<128xf32> to vector<1x128xf32>
    %add3A = vector.broadcast %broadcast_in_dim3A : vector<1x128xf32> to vector<1000x128xf32>
    %add3A_15 = arith.addf %dot_general3A_9, %add3A : vector<1000x128xf32>
    %max3A = arith.constant 0.000000e+00 : f32
    %max3A_16 = vector.broadcast %max3A : f32 to vector<1000x128xf32>
    %max3A_17 = arith.maximumf %add3A_15, %max3A_16 : vector<1000x128xf32>
    %get3A_18 = arith.constant 0 : index
    %get3A_19 = arith.constant 0 : index
    %get3A_20 = arith.constant 0 : index
    %get3A_21 = vector.load %arg5[%get3A_18, %get3A_19, %get3A_20] : memref<1x1x1000xf32, #tpu.memory_space<vmem>>, vector<1x1x1000xf32>
    %get3A_22 = vector.shape_cast %get3A_21 : vector<1x1x1000xf32> to vector<1000xf32>
    %gt3A = arith.constant 0.000000e+00 : f32
    %gt3A_23 = vector.broadcast %gt3A : f32 to vector<1000xf32>
    %gt3A_24 = arith.cmpf ogt, %get3A_22, %gt3A_23 : vector<1000xf32>
    %rsqrt3A = math.rsqrt %get3A_22 : vector<1000xf32>
    %jit3A = arith.constant 0.000000e+00 : f32
    %broadcast_in_dim3A_25 = vector.broadcast %jit3A : f32 to vector<1000xf32>
    %select_n3A = arith.select %gt3A_24, %rsqrt3A, %broadcast_in_dim3A_25 : vector<1000xi1>, vector<1000xf32>
    %swap3A = arith.constant 0 : index
    %swap3A_26 = arith.constant 0 : index
    %swap3A_27 = arith.constant 0 : index
    %swap3A_28 = vector.load %arg6[%swap3A, %swap3A_26, %swap3A_27] : memref<1x1000x128xf32, #tpu.memory_space<vmem>>, vector<1x1000x128xf32>
    %swap3A_29 = vector.shape_cast %swap3A_28 : vector<1x1000x128xf32> to vector<1000x128xf32>
    %swap3A_30 = vector.shape_cast %max3A_17 : vector<1000x128xf32> to vector<1x1000x128xf32>
    tpu.vector_store %arg6[%swap3A, %swap3A_26, %swap3A_27], %swap3A_30 {strides = array<i32>} : memref<1x1000x128xf32, #tpu.memory_space<vmem>>, vector<1x1000x128xf32>,
    %broadcast_in_dim3A_31 = vector.shape_cast %select_n3A : vector<1000xf32> to vector<1000x1xf32>
    %mul3A = vector.broadcast %broadcast_in_dim3A_31 : vector<1000x1xf32> to vector<1000x128xf32>
    %mul3A_32 = arith.mulf %max3A_17, %mul3A : vector<1000x128xf32>
    %swap3A_33 = arith.constant 0 : index
    %swap3A_34 = arith.constant 0 : index
    %swap3A_35 = arith.constant 0 : index
    %swap3A_36 = vector.load %arg7[%swap3A_33, %swap3A_34, %swap3A_35] : memref<1x1000x128xf32, #tpu.memory_space<vmem>>, vector<1x1000x128xf32>
    %swap3A_37 = vector.shape_cast %swap3A_36 : vector<1x1000x128xf32> to vector<1000x128xf32>
    %swap3A_38 = vector.shape_cast %mul3A_32 : vector<1000x128xf32> to vector<1x1000x128xf32>
    tpu.vector_store %arg7[%swap3A_33, %swap3A_34, %swap3A_35], %swap3A_38 {strides = array<i32>} : memref<1x1000x128xf32, #tpu.memory_space<vmem>>, vector<1x1000x128xf32>,
    return
  }
  func.func @transform_0(%arg0: i32, %arg1: i32) -> (i32, i32, i32) {
    %c0_i32 = arith.constant 0 : i32
    %c0_i32_0 = arith.constant 0 : i32
    return %arg0, %arg1, %c0_i32 : i32, i32, i32
  }
  func.func @transform_1(%arg0: i32, %arg1: i32) -> (i32, i32, i32) {
    %c0_i32 = arith.constant 0 : i32
    %c0_i32_0 = arith.constant 0 : i32
    %c0_i32_1 = arith.constant 0 : i32
    return %arg0, %c0_i32, %c0_i32_0 : i32, i32, i32
  }
  func.func @transform_2(%arg0: i32, %arg1: i32) -> (i32, i32, i32) {
    %c0_i32 = arith.constant 0 : i32
    %c0_i32_0 = arith.constant 0 : i32
    %c0_i32_1 = arith.constant 0 : i32
    return %arg0, %c0_i32, %c0_i32_0 : i32, i32, i32
  }
  func.func @transform_3(%arg0: i32, %arg1: i32) -> (i32, i32, i32) {
    %mul3A = arith.constant 10 : i32
    %mul3A_0 = arith.muli %arg0, %mul3A : i32
    %add3A = arith.addi %mul3A_0, %arg1 : i32
    %c0_i32 = arith.constant 0 : i32
    %c0_i32_1 = arith.constant 0 : i32
    %c0_i32_2 = arith.constant 0 : i32
    return %add3A, %c0_i32, %c0_i32_1 : i32, i32, i32
  }
  func.func @transform_4(%arg0: i32, %arg1: i32) -> (i32, i32, i32) {
    %c0_i32 = arith.constant 0 : i32
    %c0_i32_0 = arith.constant 0 : i32
    return %arg0, %arg1, %c0_i32 : i32, i32, i32
  }
  func.func @transform_5(%arg0: i32, %arg1: i32) -> (i32, i32, i32) {
    %c0_i32 = arith.constant 0 : i32
    %c0_i32_0 = arith.constant 0 : i32
    return %arg0, %arg1, %c0_i32 : i32, i32, i32
  }
}

module attributes {stable_mosaic.version = 14 : i64} {
  func.func @_out_body(%arg0: i32, %arg1: i32, %arg2: memref<1x1000x128xf32, #tpu.memory_space<vmem>>, %arg3: memref<1x1000x128xf32, #tpu.memory_space<vmem>>, %arg4: memref<1x1x1000xf32, #tpu.memory_space<vmem>>, %arg5: memref<1x128x128xf32, #tpu.memory_space<vmem>>, %arg6: memref<1x128x128xf32, #tpu.memory_space<vmem>>, %arg7: memref<1x1x128xf32, #tpu.memory_space<vmem>>, %arg8: memref<1x1x1000xi32, #tpu.memory_space<vmem>>, %arg9: memref<1x128x1xf32, #tpu.memory_space<vmem>>, %arg10: memref<1x64x128xf32, #tpu.memory_space<vmem>>, %arg11: memref<64x1xf32, #tpu.memory_space<vmem>>) attributes {dimension_semantics = [#tpu.dimension_semantics<arbitrary>, #tpu.dimension_semantics<arbitrary>], iteration_bounds = array<i64: 2, 10>, scalar_prefetch = 0 : i64, scratch_operands = 0 : i64, tpu.core_type = #tpu.core_type<tc>, window_params = [{transform_indices = @transform_0, window_bounds = array<i64: 1, 1000, 128>}, {transform_indices = @transform_1, window_bounds = array<i64: 1, 1000, 128>}, {transform_indices = @transform_2, window_bounds = array<i64: 1, 1, 1000>}, {transform_indices = @transform_3, window_bounds = array<i64: 1, 128, 128>}, {transform_indices = @transform_4, window_bounds = array<i64: 1, 128, 128>}, {transform_indices = @transform_5, window_bounds = array<i64: 1, 1, 128>}, {transform_indices = @transform_6, window_bounds = array<i64: 1, 1, 1000>}, {transform_indices = @transform_7, window_bounds = array<i64: 1, 128, 1>}, {transform_indices = @transform_8, window_bounds = array<i64: 1, 64, 128>}, {pipeline_mode = #tpu.pipeline_mode<synchronous>, transform_indices = @transform_9, window_bounds = array<i64: 64, 1>}]} {
    %get3A = arith.constant 0 : index
    %get3A_0 = arith.constant 0 : index
    %get3A_1 = arith.constant 0 : index
    %get3A_2 = vector.load %arg4[%get3A, %get3A_0, %get3A_1] : memref<1x1x1000xf32, #tpu.memory_space<vmem>>, vector<1x1x1000xf32>
    %get3A_3 = vector.shape_cast %get3A_2 : vector<1x1x1000xf32> to vector<1000xf32>
    %gt3A = arith.constant 0.000000e+00 : f32
    %gt3A_4 = vector.broadcast %gt3A : f32 to vector<1000xf32>
    %gt3A_5 = arith.cmpf ogt, %get3A_3, %gt3A_4 : vector<1000xf32>
    %rsqrt3A = math.rsqrt %get3A_3 : vector<1000xf32>
    %jit3A = arith.constant 0.000000e+00 : f32
    %broadcast_in_dim3A = vector.broadcast %jit3A : f32 to vector<1000xf32>
    %select_n3A = arith.select %gt3A_5, %rsqrt3A, %broadcast_in_dim3A : vector<1000xi1>, vector<1000xf32>
    %get3A_6 = arith.constant 0 : index
    %get3A_7 = arith.constant 0 : index
    %get3A_8 = arith.constant 0 : index
    %get3A_9 = vector.load %arg3[%get3A_6, %get3A_7, %get3A_8] : memref<1x1000x128xf32, #tpu.memory_space<vmem>>, vector<1x1000x128xf32>
    %get3A_10 = vector.shape_cast %get3A_9 : vector<1x1000x128xf32> to vector<1000x128xf32>
    %neg3A = arith.constant 0.000000e+00 : f32
    %neg3A_11 = vector.broadcast %neg3A : f32 to vector<1000xf32>
    %neg3A_12 = arith.subf %neg3A_11, %select_n3A : vector<1000xf32>
    %broadcast_in_dim3A_13 = vector.shape_cast %neg3A_12 : vector<1000xf32> to vector<1000x1xf32>
    %mul3A = vector.broadcast %broadcast_in_dim3A_13 : vector<1000x1xf32> to vector<1000x128xf32>
    %mul3A_14 = arith.mulf %get3A_10, %mul3A : vector<1000x128xf32>
    %get3A_15 = arith.constant 0 : index
    %get3A_16 = arith.constant 0 : index
    %get3A_17 = arith.constant 0 : index
    %get3A_18 = vector.load %arg2[%get3A_15, %get3A_16, %get3A_17] : memref<1x1000x128xf32, #tpu.memory_space<vmem>>, vector<1x1000x128xf32>
    %get3A_19 = vector.shape_cast %get3A_18 : vector<1x1000x128xf32> to vector<1000x128xf32>
    %get3A_20 = arith.constant 0 : index
    %get3A_21 = arith.constant 0 : index
    %get3A_22 = arith.constant 0 : index
    %get3A_23 = vector.load %arg5[%get3A_20, %get3A_21, %get3A_22] : memref<1x128x128xf32, #tpu.memory_space<vmem>>, vector<1x128x128xf32>
    %get3A_24 = vector.shape_cast %get3A_23 : vector<1x128x128xf32> to vector<128x128xf32>
    %dot_general3A = arith.constant dense<0.000000e+00> : vector<1000x128xf32>
    %dot_general3A_25 = tpu.matmul %get3A_19, %get3A_24, %dot_general3A {dimension_numbers = #tpu.dot_dimension_numbers<[1], [0], [0], [1], [0, 0, 1, 1], [], []>, transpose_lhs_hint = false} : vector<1000x128xf32>, vector<128x128xf32>, vector<1000x128xf32> -> vector<1000x128xf32>
    %get3A_26 = arith.constant 0 : index
    %get3A_27 = arith.constant 0 : index
    %get3A_28 = arith.constant 0 : index
    %get3A_29 = vector.load %arg6[%get3A_26, %get3A_27, %get3A_28] : memref<1x128x128xf32, #tpu.memory_space<vmem>>, vector<1x128x128xf32>
    %get3A_30 = vector.shape_cast %get3A_29 : vector<1x128x128xf32> to vector<128x128xf32>
    %dot_general3A_31 = arith.constant dense<0.000000e+00> : vector<1000x128xf32>
    %dot_general3A_32 = tpu.matmul %mul3A_14, %get3A_30, %dot_general3A_31 {dimension_numbers = #tpu.dot_dimension_numbers<[1], [0], [0], [1], [0, 0, 1, 1], [], []>, transpose_lhs_hint = false} : vector<1000x128xf32>, vector<128x128xf32>, vector<1000x128xf32> -> vector<1000x128xf32>
    %add3A = arith.addf %dot_general3A_25, %dot_general3A_32 : vector<1000x128xf32>
    %get3A_33 = arith.constant 0 : index
    %get3A_34 = arith.constant 0 : index
    %get3A_35 = arith.constant 0 : index
    %get3A_36 = vector.load %arg7[%get3A_33, %get3A_34, %get3A_35] : memref<1x1x128xf32, #tpu.memory_space<vmem>>, vector<1x1x128xf32>
    %get3A_37 = vector.shape_cast %get3A_36 : vector<1x1x128xf32> to vector<128xf32>
    %broadcast_in_dim3A_38 = vector.shape_cast %get3A_37 : vector<128xf32> to vector<1x128xf32>
    %add3A_39 = vector.broadcast %broadcast_in_dim3A_38 : vector<1x128xf32> to vector<1000x128xf32>
    %add3A_40 = arith.addf %add3A, %add3A_39 : vector<1000x128xf32>
    %max3A = arith.constant 0.000000e+00 : f32
    %max3A_41 = vector.broadcast %max3A : f32 to vector<1000x128xf32>
    %max3A_42 = arith.maximumf %add3A_40, %max3A_41 : vector<1000x128xf32>
    %get3A_43 = arith.constant 0 : index
    %get3A_44 = arith.constant 0 : index
    %get3A_45 = arith.constant 0 : index
    %get3A_46 = vector.load %arg8[%get3A_43, %get3A_44, %get3A_45] : memref<1x1x1000xi32, #tpu.memory_space<vmem>>, vector<1x1x1000xi32>
    %get3A_47 = vector.shape_cast %get3A_46 : vector<1x1x1000xi32> to vector<1000xi32>
    %broadcast_in_dim3A_48 = vector.shape_cast %get3A_47 : vector<1000xi32> to vector<1x1000xi32>
    %iota3A = tpu.iota {dimensions = array<i32: 0>} : vector<64x1000xi32>
    %eq3A = vector.broadcast %broadcast_in_dim3A_48 : vector<1x1000xi32> to vector<64x1000xi32>
    %eq3A_49 = arith.cmpi eq, %eq3A, %iota3A : vector<64x1000xi32>
    %convert_element_type3A = arith.extui %eq3A_49 : vector<64x1000xi1> to vector<64x1000xi32>
    %convert_element_type3A_50 = arith.sitofp %convert_element_type3A : vector<64x1000xi32> to vector<64x1000xf32>
    %dot_general3A_51 = arith.constant dense<0.000000e+00> : vector<64x128xf32>
    %dot_general3A_52 = tpu.matmul %convert_element_type3A_50, %max3A_42, %dot_general3A_51 {dimension_numbers = #tpu.dot_dimension_numbers<[1], [0], [0], [1], [0, 0, 1, 1], [], []>, transpose_lhs_hint = false} : vector<64x1000xf32>, vector<1000x128xf32>, vector<64x128xf32> -> vector<64x128xf32>
    %eq3A_53 = arith.constant 0 : i32
    %eq3A_54 = arith.cmpi eq, %arg1, %eq3A_53 : i32
    %convert_element_type3A_55 = arith.extui %eq3A_54 : i1 to i32
    %cond3A = arith.constant 0 : i32
    %cond3A_56 = arith.cmpi ne, %convert_element_type3A_55, %cond3A : i32
    scf.if %cond3A_56 {
      %swap3A = arith.constant 0 : index
      %swap3A_77 = arith.constant 0 : index
      %swap3A_78 = arith.constant 0 : index
      %swap3A_79 = vector.load %arg10[%swap3A, %swap3A_77, %swap3A_78] : memref<1x64x128xf32, #tpu.memory_space<vmem>>, vector<1x64x128xf32>
      %swap3A_80 = vector.shape_cast %swap3A_79 : vector<1x64x128xf32> to vector<64x128xf32>
      %swap3A_81 = vector.shape_cast %dot_general3A_52 : vector<64x128xf32> to vector<1x64x128xf32>
      tpu.vector_store %arg10[%swap3A, %swap3A_77, %swap3A_78], %swap3A_81 {strides = array<i32>} : memref<1x64x128xf32, #tpu.memory_space<vmem>>, vector<1x64x128xf32>,
    } else {
    }
    %gt3A_57 = arith.constant 0 : i32
    %gt3A_58 = arith.cmpi sgt, %arg1, %gt3A_57 : i32
    %convert_element_type3A_59 = arith.extui %gt3A_58 : i1 to i32
    %cond3A_60 = arith.constant 0 : i32
    %cond3A_61 = arith.cmpi ne, %convert_element_type3A_59, %cond3A_60 : i32
    scf.if %cond3A_61 {
      %get3A_77 = arith.constant 0 : index
      %get3A_78 = arith.constant 0 : index
      %get3A_79 = arith.constant 0 : index
      %get3A_80 = vector.load %arg10[%get3A_77, %get3A_78, %get3A_79] : memref<1x64x128xf32, #tpu.memory_space<vmem>>, vector<1x64x128xf32>
      %get3A_81 = vector.shape_cast %get3A_80 : vector<1x64x128xf32> to vector<64x128xf32>
      %add3A_82 = arith.addf %get3A_81, %dot_general3A_52 : vector<64x128xf32>
      %swap3A = arith.constant 0 : index
      %swap3A_83 = arith.constant 0 : index
      %swap3A_84 = arith.constant 0 : index
      %swap3A_85 = vector.load %arg10[%swap3A, %swap3A_83, %swap3A_84] : memref<1x64x128xf32, #tpu.memory_space<vmem>>, vector<1x64x128xf32>
      %swap3A_86 = vector.shape_cast %swap3A_85 : vector<1x64x128xf32> to vector<64x128xf32>
      %swap3A_87 = vector.shape_cast %add3A_82 : vector<64x128xf32> to vector<1x64x128xf32>
      tpu.vector_store %arg10[%swap3A, %swap3A_83, %swap3A_84], %swap3A_87 {strides = array<i32>} : memref<1x64x128xf32, #tpu.memory_space<vmem>>, vector<1x64x128xf32>,
    } else {
    }
    %eq3A_62 = arith.constant 0 : i32
    %eq3A_63 = arith.cmpi eq, %arg0, %eq3A_62 : i32
    %eq3A_64 = arith.constant 9 : i32
    %eq3A_65 = arith.cmpi eq, %arg1, %eq3A_64 : i32
    %and3A = arith.andi %eq3A_63, %eq3A_65 : i1
    %convert_element_type3A_66 = arith.extui %and3A : i1 to i32
    %cond3A_67 = arith.constant 0 : i32
    %cond3A_68 = arith.cmpi ne, %convert_element_type3A_66, %cond3A_67 : i32
    scf.if %cond3A_68 {
      %get3A_77 = arith.constant 0 : index
      %get3A_78 = arith.constant 0 : index
      %get3A_79 = arith.constant 0 : index
      %get3A_80 = vector.load %arg10[%get3A_77, %get3A_78, %get3A_79] : memref<1x64x128xf32, #tpu.memory_space<vmem>>, vector<1x64x128xf32>
      %get3A_81 = vector.shape_cast %get3A_80 : vector<1x64x128xf32> to vector<64x128xf32>
      %get3A_82 = arith.constant 0 : index
      %get3A_83 = arith.constant 0 : index
      %get3A_84 = arith.constant 0 : index
      %get3A_85 = vector.load %arg9[%get3A_82, %get3A_83, %get3A_84] : memref<1x128x1xf32, #tpu.memory_space<vmem>>, vector<1x128x1xf32>
      %get3A_86 = vector.shape_cast %get3A_85 : vector<1x128x1xf32> to vector<128x1xf32>
      %dot_general3A_87 = arith.constant dense<0.000000e+00> : vector<64x1xf32>
      %dot_general3A_88 = tpu.matmul %get3A_81, %get3A_86, %dot_general3A_87 {dimension_numbers = #tpu.dot_dimension_numbers<[1], [0], [0], [1], [0, 0, 1, 1], [], []>, transpose_lhs_hint = false} : vector<64x128xf32>, vector<128x1xf32>, vector<64x1xf32> -> vector<64x1xf32>
      %swap3A = arith.constant 0 : index
      %swap3A_89 = arith.constant 0 : index
      %swap3A_90 = vector.load %arg11[%swap3A, %swap3A_89] : memref<64x1xf32, #tpu.memory_space<vmem>>, vector<64x1xf32>
      tpu.vector_store %arg11[%swap3A, %swap3A_89], %dot_general3A_88 {strides = array<i32>} : memref<64x1xf32, #tpu.memory_space<vmem>>, vector<64x1xf32>,
    } else {
    }
    %eq3A_69 = arith.constant 1 : i32
    %eq3A_70 = arith.cmpi eq, %arg0, %eq3A_69 : i32
    %eq3A_71 = arith.constant 9 : i32
    %eq3A_72 = arith.cmpi eq, %arg1, %eq3A_71 : i32
    %and3A_73 = arith.andi %eq3A_70, %eq3A_72 : i1
    %convert_element_type3A_74 = arith.extui %and3A_73 : i1 to i32
    %cond3A_75 = arith.constant 0 : i32
    %cond3A_76 = arith.cmpi ne, %convert_element_type3A_74, %cond3A_75 : i32
    scf.if %cond3A_76 {
      %get3A_77 = arith.constant 0 : index
      %get3A_78 = arith.constant 0 : index
      %get3A_79 = vector.load %arg11[%get3A_77, %get3A_78] : memref<64x1xf32, #tpu.memory_space<vmem>>, vector<64x1xf32>
      %get3A_80 = arith.constant 0 : index
      %get3A_81 = arith.constant 0 : index
      %get3A_82 = arith.constant 0 : index
      %get3A_83 = vector.load %arg10[%get3A_80, %get3A_81, %get3A_82] : memref<1x64x128xf32, #tpu.memory_space<vmem>>, vector<1x64x128xf32>
      %get3A_84 = vector.shape_cast %get3A_83 : vector<1x64x128xf32> to vector<64x128xf32>
      %get3A_85 = arith.constant 0 : index
      %get3A_86 = arith.constant 0 : index
      %get3A_87 = arith.constant 0 : index
      %get3A_88 = vector.load %arg9[%get3A_85, %get3A_86, %get3A_87] : memref<1x128x1xf32, #tpu.memory_space<vmem>>, vector<1x128x1xf32>
      %get3A_89 = vector.shape_cast %get3A_88 : vector<1x128x1xf32> to vector<128x1xf32>
      %dot_general3A_90 = arith.constant dense<0.000000e+00> : vector<64x1xf32>
      %dot_general3A_91 = tpu.matmul %get3A_84, %get3A_89, %dot_general3A_90 {dimension_numbers = #tpu.dot_dimension_numbers<[1], [0], [0], [1], [0, 0, 1, 1], [], []>, transpose_lhs_hint = false} : vector<64x128xf32>, vector<128x1xf32>, vector<64x1xf32> -> vector<64x1xf32>
      %add3A_92 = arith.addf %get3A_79, %dot_general3A_91 : vector<64x1xf32>
      %swap3A = arith.constant 0 : index
      %swap3A_93 = arith.constant 0 : index
      %swap3A_94 = vector.load %arg11[%swap3A, %swap3A_93] : memref<64x1xf32, #tpu.memory_space<vmem>>, vector<64x1xf32>
      tpu.vector_store %arg11[%swap3A, %swap3A_93], %add3A_92 {strides = array<i32>} : memref<64x1xf32, #tpu.memory_space<vmem>>, vector<64x1xf32>,
    } else {
    }
    return
  }
  func.func @transform_0(%arg0: i32, %arg1: i32) -> (i32, i32, i32) {
    %c0_i32 = arith.constant 0 : i32
    %c0_i32_0 = arith.constant 0 : i32
    return %arg0, %arg1, %c0_i32 : i32, i32, i32
  }
  func.func @transform_1(%arg0: i32, %arg1: i32) -> (i32, i32, i32) {
    %c0_i32 = arith.constant 0 : i32
    %c0_i32_0 = arith.constant 0 : i32
    return %arg0, %arg1, %c0_i32 : i32, i32, i32
  }
  func.func @transform_2(%arg0: i32, %arg1: i32) -> (i32, i32, i32) {
    %mul3A = arith.constant 10 : i32
    %mul3A_0 = arith.muli %arg0, %mul3A : i32
    %add3A = arith.addi %mul3A_0, %arg1 : i32
    %c0_i32 = arith.constant 0 : i32
    %c0_i32_1 = arith.constant 0 : i32
    %c0_i32_2 = arith.constant 0 : i32
    return %add3A, %c0_i32, %c0_i32_1 : i32, i32, i32
  }
  func.func @transform_3(%arg0: i32, %arg1: i32) -> (i32, i32, i32) {
    %c0_i32 = arith.constant 0 : i32
    %c0_i32_0 = arith.constant 0 : i32
    %c0_i32_1 = arith.constant 0 : i32
    return %arg0, %c0_i32, %c0_i32_0 : i32, i32, i32
  }
  func.func @transform_4(%arg0: i32, %arg1: i32) -> (i32, i32, i32) {
    %c0_i32 = arith.constant 0 : i32
    %c0_i32_0 = arith.constant 0 : i32
    %c0_i32_1 = arith.constant 0 : i32
    return %arg0, %c0_i32, %c0_i32_0 : i32, i32, i32
  }
  func.func @transform_5(%arg0: i32, %arg1: i32) -> (i32, i32, i32) {
    %c0_i32 = arith.constant 0 : i32
    %c0_i32_0 = arith.constant 0 : i32
    %c0_i32_1 = arith.constant 0 : i32
    return %arg0, %c0_i32, %c0_i32_0 : i32, i32, i32
  }
  func.func @transform_6(%arg0: i32, %arg1: i32) -> (i32, i32, i32) {
    %mul3A = arith.constant 10 : i32
    %mul3A_0 = arith.muli %arg0, %mul3A : i32
    %add3A = arith.addi %mul3A_0, %arg1 : i32
    %c0_i32 = arith.constant 0 : i32
    %c0_i32_1 = arith.constant 0 : i32
    %c0_i32_2 = arith.constant 0 : i32
    return %add3A, %c0_i32, %c0_i32_1 : i32, i32, i32
  }
  func.func @transform_7(%arg0: i32, %arg1: i32) -> (i32, i32, i32) {
    %c0_i32 = arith.constant 0 : i32
    %c0_i32_0 = arith.constant 0 : i32
    %c0_i32_1 = arith.constant 0 : i32
    return %arg0, %c0_i32, %c0_i32_0 : i32, i32, i32
  }
  func.func @transform_8(%arg0: i32, %arg1: i32) -> (i32, i32, i32) {
    %c0_i32 = arith.constant 0 : i32
    %c0_i32_0 = arith.constant 0 : i32
    %c0_i32_1 = arith.constant 0 : i32
    return %arg0, %c0_i32, %c0_i32_0 : i32, i32, i32
  }
  func.func @transform_9(%arg0: i32, %arg1: i32) -> (i32, i32) {
    %c0_i32 = arith.constant 0 : i32
    %c0_i32_0 = arith.constant 0 : i32
    %c0_i32_1 = arith.constant 0 : i32
    return %c0_i32, %c0_i32_0 : i32, i32
  }
}

</mosaic_0001>

<sc_bundles>
// kernel: kernel.10.cloned.1.call-start
scs
__scs_entry_jumppad:
0x0: {  	(pc) =	sbr.rel $0x88, $3  }
0x1: {  	(tag) =	ssettag $0x0;
	lr =	simm.s32 $0x1  }
0x2: {  	[smem:$0x3F8F] =	sst lr;
	_ =	strace $0xD0000000  }
0x3: {  	_ = 	snop  }
0x4: {  	_ = 	snop  }
0x5: {  	_ = 	snop  }
0x6: {  	_ = 	snop  }
0x7: {  	_ = 	snop  }
__scs_overlays_trampoline_lowered:
0x8: {  	[smem:$0x3F9E] =	sst s0  }
0x9: {  	[smem:$0x3F9F] =	sst s1  }
0xa: {  	[smem:$0x3FA0] =	sst s2  }
0xb: {  	[smem:$0x3FA1] =	sst s3  }
0xc: {  	[smem:$0x3FA2] =	sst s4  }
0xd: {  	[smem:$0x3FA3] =	sst s5  }
0xe: {  	[smem:$0x3FA4] =	sst s6  }
0xf: {  	[smem:$0x3FA5] =	sst s7  }
0x10: {  	[smem:$0x3FA6] =	sst s8  }
0x11: {  	[smem:$0x3FA7] =	sst s9;
	s0 =	simm.s32 @!p0 $0x0  }
0x12: {  	s1 =	sld [smem:$0x3F8D];
	s0 =	simm.s32 @p0 $0x1  }
0x13: {  	[smem:$0x3FA8] =	sst s0;
	s0 =	simm.s32 @!p1 $0x0  }
0x14: {  	s2 =	sld [smem:$0x3F8C];
	s0 =	simm.s32 @p1 $0x1  }
0x15: {  	[smem:$0x3FA9] =	sst s0;
	s0 =	simm.s32 @!p2 $0x0  }
0x16: {  	s3 =	sld [smem:$0x3FDB];
	s0 =	simm.s32 @p2 $0x1  }
0x17: {  	s4 =	simm.s32 $0x1BF5;
	[smem:$0x3FAB] =	sst s0  }
0x18: {  	s0 =	sld [smem:$0x3F8E];
	_ =	swait.ge [sflag:s4], $0x0  }
0x19: {  	s7 =	sld [smem:$0x3F8F]  }
0x1a: {  	s8 =	sadd.s32 $0xFFFFE003, lr  }
0x1b: {  	s9 =	sadd.s32 $0xFFFFFEF7, lr;
	s5 =	simm.s32 $0xFFFFFFFF;
	p2 =	slt.u32 s8, $0xFFFFF086  }
0x1c: {  	p1 =	slt.u32 s9, $0xF7A;
	s5 =	simm.s32 @!p2 $0x0  }
0x1d: {  	s5 =	simm.s32 @p1 $0x1;
	p0 =	seq.s32 s7, s2  }
0x1e: {  	s7 =	smul.u32 @!p0 $0xF7A, s2;
	p2 =	seq.s32 @!p0 s5, $0x0  }
0x1f: {  	s9 =	smul.u32 $0xF7A, s1;
	s8 =	simm.s32 @!p0 $0x1BF5;
	p2 =	por !p2, p0  }
0x20: {  	[sflag:s8] =	ssyncset.s32 @!p0 $0xFFFFF086;
	s6 =	sadd.s32 @!p0 s3, s7;
	s7 =	simm.s32 @!p0 $0x108  }
0x21: {  	s3 =	sadd.s32 s3, s9;
	s6 =	sadd.s32 @!p0 $0x88, s6;
	s7 =	simm.s32 @p2 $0x1082  }
0x22: {  	[simem:s7], [sflag:s8] =	dma.local @!p0 [hbm:s6], $0xF7A  }
0x23: {  	s9 =	sor.u32 $0xD0000000, s2;
	s6 =	simm.s32 $0x108;
	_ =	swait.ge @!p0 [sflag:s8], $0x0  }
0x24: {  	s3 =	sadd.s32 $0x88, s3;
	s6 =	simm.s32 @!p1 $0x1082;
	[sflag:s4] =	ssyncset.s32 $0xFFFFF086  }
0x25: {  	[simem:s6], [sflag:s4] =	dma.local [hbm:s3], $0xF7A  }
0x26: {  	[smem:$0x3F8F] =	sst s1;
	(tag) =	ssettag s2;
	_ =	strace s9  }
0x27: {  	s1 =	sld [smem:$0x3F9F]  }
0x28: {  	s2 =	sld [smem:$0x3FA0]  }
0x29: {  	s4 =	sld [smem:$0x3FA2]  }
0x2a: {  	p0 =	seq.s32 s5, $0x0;
	s5 =	sld [smem:$0x3FA3]  }
0x2b: {  	s6 =	sld [smem:$0x3FA4]  }
0x2c: {  	s7 =	sld [smem:$0x3FA5]  }
0x2d: {  	s3 =	simm.s32 $0x108;
	s8 =	sld [smem:$0x3FA6]  }
0x2e: {  	s3 =	simm.s32 @!p0 $0x1082;
	s9 =	sld [smem:$0x3FA7]  }
0x2f: {  	lr =	sadd.s32 s0, s3;
	s0 =	sld [smem:$0x3F9E]  }
0x30: {  	s3 =	sld [smem:$0x3FA1]  }
0x31: {  	[smem:$0x3FAA] =	sst s10  }
0x32: {  	s10 =	sld [smem:$0x3FA8];
	_ =	sdelay $0x3  }
0x33: {  	p0 =	seq.s32 s10, $0x1;
	s10 =	sld [smem:$0x3FAA];
	_ =	sdelay $0x3  }
0x34: {  	[smem:$0x3FAA] =	sst s10  }
0x35: {  	s10 =	sld [smem:$0x3FA9];
	_ =	sdelay $0x3  }
0x36: {  	p1 =	seq.s32 s10, $0x1;
	s10 =	sld [smem:$0x3FAA];
	_ =	sdelay $0x3  }
0x37: {  	[smem:$0x3FAA] =	sst s10  }
0x38: {  	s10 =	sld [smem:$0x3FAB]  }
0x39: {  	_ = 	snop;
	(pc) =	sbr.ind lr, $3  }
0x3a: {  	_ = 	snop  }
0x3b: {  	_ = 	snop  }
0x3c: {  	p2 =	seq.s32 s10, $0x1;
	s10 =	sld [smem:$0x3FAA]  }
0x3d: {  	_ =	shalt  }
0x3e: {  	_ =	shalt  }
0x3f: {  	_ =	shalt  }
0x40: {  	_ =	shalt  }
0x41: {  	_ =	shalt  }
0x42: {  	_ =	shalt  }
0x43: {  	_ =	shalt  }
0x44: {  	_ =	shalt  }
0x45: {  	_ =	shalt  }
0x46: {  	_ =	shalt  }
0x47: {  	_ =	shalt  }
0x48: {  	_ =	shalt  }
0x49: {  	_ =	shalt  }
0x4a: {  	_ =	shalt  }
0x4b: {  	_ =	shalt  }
0x4c: {  	_ =	shalt  }
0x4d: {  	_ =	shalt  }
0x4e: {  	_ =	shalt  }
0x4f: {  	_ =	shalt  }
0x50: {  	_ =	shalt  }
0x51: {  	_ =	shalt  }
0x52: {  	_ =	shalt  }
0x53: {  	_ =	shalt  }
0x54: {  	_ =	shalt  }
0x55: {  	_ =	shalt  }
0x56: {  	_ =	shalt  }
0x57: {  	_ =	shalt  }
0x58: {  	_ =	shalt  }
0x59: {  	_ =	shalt  }
0x5a: {  	_ =	shalt  }
0x5b: {  	_ =	shalt  }
0x5c: {  	_ =	shalt  }
0x5d: {  	_ =	shalt  }
0x5e: {  	_ =	shalt  }
0x5f: {  	_ =	shalt  }
0x60: {  	_ =	shalt  }
0x61: {  	_ =	shalt  }
0x62: {  	_ =	shalt  }
0x63: {  	_ =	shalt  }
0x64: {  	_ =	shalt  }
0x65: {  	_ =	shalt  }
0x66: {  	_ =	shalt  }
0x67: {  	_ =	shalt  }
0x68: {  	_ =	shalt  }
0x69: {  	_ =	shalt  }
0x6a: {  	_ =	shalt  }
0x6b: {  	_ =	shalt  }
0x6c: {  	_ =	shalt  }
0x6d: {  	_ =	shalt  }
0x6e: {  	_ =	shalt  }
0x6f: {  	_ =	shalt  }
0x70: {  	_ =	shalt  }
0x71: {  	_ =	shalt  }
0x72: {  	_ =	shalt  }
0x73: {  	_ =	shalt  }
0x74: {  	_ =	shalt  }
0x75: {  	_ =	shalt  }
0x76: {  	_ =	shalt  }
0x77: {  	_ =	shalt  }
0x78: {  	_ =	shalt  }
0x79: {  	_ =	shalt  }
0x7a: {  	_ =	shalt  }
0x7b: {  	_ =	shalt  }
0x7c: {  	_ =	shalt  }
0x7d: {  	_ =	shalt  }
0x7e: {  	_ =	shalt  }
0x7f: {  	_ =	shalt  }
0x80: {  	_ =	shalt  }
0x81: {  	_ =	shalt  }
0x82: {  	_ =	shalt  }
0x83: {  	_ =	shalt  }
0x84: {  	_ =	shalt  }
0x85: {  	_ =	shalt  }
0x86: {  	_ =	shalt  }
0x87: {  	_ =	shalt  }
.Lfunc_end0:
.L_simem_size_0:
called_computation.1_lowered:
.L_overlay_start_0:
0x88: {  	s2 =	sld [smem:$0x3FD9]  }
0x89: {  	s3 =	sld [smem:$0x3FFE];
	_ =	sdelay $0x1  }
0x8a: {  	s1 =	srdreg.scid  }
0x8b: {  	s0 =	sand.u32 $0x1, s1  }
0x8c: {  	s16 =	sshll.u32 s0, $0xA;
	s2 =	sadd.s32 s3, s2  }
0x8d: {  	s2 =	sadd.s32 s2, s16  }
0x8e: {  	[smem:$0x3FB6] =	sst s2  }
0x8f: {  	_ = 	snop  }
0x90: {  	(tm) =	ssettm $0x1  }
0x91: {  	s17 =	sld [smem:$0x3FFB];
	_ =	sdelay $0x3  }
0x92: {  	_ =	strace s17  }
0x93: {  	s2 =	sld [smem:$0x3FFC];
	_ =	sdelay $0x3  }
0x94: {  	_ =	strace s2  }
0x95: {  	s2 =	sld [smem:$0x3FFD];
	_ =	sdelay $0x3  }
0x96: {  	_ =	strace s2  }
0x97: {  	_ =	strace $0x8FFFFFFF  }
0x98: {  	s18 =	sld [smem:$0x3FDB];
	_ =	sdelay $0x1  }
0x99: {  	s19 =	simm.s32 $_scs_section_size  }
0x9a: {  	s4 =	simm.s32 $_size__tile_overlayer_lowered;
	s5 =	simm.s32 $_tile_overlayer_lowered  }
0x9b: {  	s22 =	simm.s32 $0x1BFF;
	s21 =	sshll.u32 s5, $0x1;
	s2 =	sadd.s32 s19, s18  }
0x9c: {  	s6 =	simm.s32 $0x0;
	s20 =	sshll.u32 s4, $0x1;
	s4 =	sadd.s32 s21, s2  }
0x9d: {  	[timem:s6], [sflag:s22] =	dma.local [hbm:s4], s20  }
0x9e: {  	_ =	swait.ge [sflag:s22], s20  }
0x9f: {  	s3 =	ssub.s32 $0x0, s20;
	[sflag:s22] =	ssyncset.done $0x0  }
0xa0: {  	[sflag:s22] =	ssyncadd.s32 s3;
	_ =	sdelay $0x1  }
0xa1: {  	s23 =	simm.s32 $0x1B8B  }
0xa2: {  	_ =	swait.ge [sflag:s23], $0x1  }
0xa3: {  	[sflag:s23] =	ssyncset.done $0x0  }
0xa4: {  	s25 =	simm.s32 $0x1B8E;
	s24 =	sld [smem:$0x3FFE];
	[sflag:s23] =	ssyncadd.s32 $0xFFFFFFFF  }
0xa5: {  	s26 =	simm.s32 $execute0_lowered;
	[smem:$0x3FD2] =	sst s25  }
0xa6: {  	s4 =	sshll.u32 s26, $0x1;
	_ =	strace $0x80000049;
	[dreg:$0x1] =	wrdreg $0xFFFFFFFF  }
0xa7: {  	s28 =	simm.s32 $_size_execute0_lowered;
	s2 =	sadd.s32 s2, s4;
	[dreg:$0x0] =	wrdreg $0x0  }
0xa8: {  	s4 =	sshll.u32 s28, $0x1;
	[dreg:$0x2] =	wrdreg s2  }
0xa9: {  	[dreg:$0x3] =	wrdreg s4  }
0xaa: {  	[dreg:$0x4] =	wrdreg $0xC0  }
0xab: {  	_ =	task [dreg:s6], $0x5FFFF  }
0xac: {  	[dreg:$0x1] =	wrdreg $0xFFFFFFFF  }
0xad: {  	[dreg:$0x0] =	wrdreg $0x60  }
0xae: {  	[dreg:$0x2] =	wrdreg s24  }
0xaf: {  	[dreg:$0x3] =	wrdreg $0xA8000  }
0xb0: {  	[dreg:$0x4] =	wrdreg $0x9  }
0xb1: {  	_ =	task.clear_ibuf [dreg:s6], $0x5FFFF;
	_ =	strace $0x90000049  }
0xb2: {  	s29 =	simm.s32 $0x9;
	_ =	strace $0x8000004B  }
0xb3: {  	_ =	swait.ge [sflag:s29], $0x1  }
0xb4: {  	[sflag:s29] =	ssyncadd.s32 $0xFFFFFFFF  }
0xb5: {  	_ =	strace $0x9000004B  }
0xb6: {  	_ =	sfence  }
0xb7: {  	s30 =	sld [smem:$0x0];
	_ =	sdelay $0x2  }
0xb8: {  	s31 =	sshll.u32 s1, $0xD;
	s1 =	sshrl.u32 s1, $0x2  }
0xb9: {  	s3 =	sand.u32 $0x4000, s31;
	s1 =	sadd.s32 s1, s30  }
0xba: {  	s0 =	sor.u32 s3, s0;
	s1 =	sshll.u32 s1, $0x11  }
0xbb: {  	s0 =	sor.u32 s1, s0  }
0xbc: {  	s0 =	sadd.s32 $0x8F2B, s0  }
0xbd: {  	[sflag:s0] =	ssyncadd.remote.s32 $0x1  }
0xbe: {  	_ =	sfence.sel $0xFFFF  }
0xbf: {  	[dreg:$0x0] =	wrdreg $0xFFFFFFFF;
	(pc) =	sbr.abs _section_cstart, $3  }
0xc0: {  	[dreg:$0x1] =	wrdreg $0xFFFFFFFF  }
0xc1: {  	_ =	task.clear_ibuf [dreg:s6], $0x2FFFF;
	_ =	strace $0x9FFFFFFF  }
0xc2: {  	(tm) =	ssettm $0x7FFFFFFF  }
0xc3: {  	_ =	shalt  }
tec
execute0_lowered:
.L_overlay_start_1:
0x0: {  	(tag) =	ssettag $0x1  }
0x1: {  	s0 =	rddreg [dreg:$0x0]  }
0x2: {  	s2 =	rddreg [dreg:$0x1]  }
0x3: {  	s1 =	srdreg.scid;
	s11 =	stileid.u32;
	s3 =	simm.s32 $0x0  }
0x4: {  	s20 =	simm.s32 $0x2800;
	s21 =	simm.s32 $0x3;
	s22 =	simm.s32 $0x1400  }
0x5: {  	s23 =	simm.s32 $0x80;
	s24 =	simm.s32 $0x6800;
	s25 =	simm.s32 $0x1  }
0x6: {  	s28 =	simm.s32 $0x2700;
	s29 =	simm.s32 $0x2780;
	s30 =	simm.s32 $0x0  }
0x7: {  	s1 =	sand.u32 $0x1, s1;
	s6 =	smul.u32 $0x280, s11;
	[smem:$0x7FF] =	sst s3  }
0x8: {  	s4 =	sadd.s32 $0x2A200, s0;
	s5 =	sadd.s32 $0x16200, s0;
	s9 =	smul.u32 $0x50000, s11  }
0x9: {  	s26 =	sadd.s32 $0xC8400, s0;
	s7 =	smul.u32 $0x2800, s1;
	_ =	strace $0x8000004A  }
0xa: {  	[dreg:$0x3] =	wrdreg s26;
	s31 =	ssub.s32 $0x2, s1;
	s1 =	sshll.u32 s1, $0x4  }
0xb: {  	s26 =	simm.s32 $0x2;
	s10 =	sshrl.u32 s31, $0x1;
	s9 =	sshrl.u32 s9, $0x2  }
0xc: {  	s1 =	sor.u32 s11, s1;
	s7 =	sadd.s32 s6, s7;
	s6 =	sadd.s32 $0x2200, s0  }
0xd: {  	s19 =	ssub.s32 s31, s10;
	s13 =	smul.u32 $0x5000, s1;
	s8 =	sshll.u32 s7, $0x4  }
0xe: {  	s19 =	smax.u32 s19, $0x1;
	s0 =	sadd.s32 s8, s0;
	s8 =	sadd.s32 s9, s2  }
0xf: {  	s9 =	sadd.s32 $0x4000, s8;
	s10 =	sadd.s32 $0x8000, s8;
	s11 =	sadd.s32 $0xC000, s8  }
0x10: {  	s12 =	sadd.s32 $0x10000, s8;
	s14 =	sadd.s32 $0xC8C00, s0;
	s15 =	sadd.s32 $0xC9400, s0  }
0x11: {  	s16 =	sadd.s32 $0xC9C00, s0;
	s17 =	sadd.s32 $0xCA400, s0;
	s18 =	sadd.s32 $0xCAC00, s0  }
.LBB2_1:
0x12: {  	s0 =	rddreg [dreg:$0x3]  }
0x13: {  	[tilespmem:s20], [sflag:$0x3] =	stream.linear.gather [hbm4b:s0+s3], $0x4000, $0x38;
	[tilespmem:$0x1E800] =	vst v63  }
0x14: {  	_ =	swait.ge [sflag:s21], $0x4000  }
0x15: {  	[sflag:s21] =	ssyncset.done $0x0  }
0x16: {  	[sflag:s21] =	ssyncadd.s32 $0xFFFFC000  }
0x17: {  	[spmem:s8] =	stream.linear.scatter [tilespmem:s20], [sflag:$0x3], $0x4000, $0x38;
	[tilespmem:$0x1E800] =	vst v63  }
0x18: {  	_ =	swait.ge [sflag:s21], $0x4000  }
0x19: {  	[sflag:s21] =	ssyncset.done $0x0  }
0x1a: {  	[sflag:s21] =	ssyncadd.s32 $0xFFFFC000  }
0x1b: {  	[spmem:s9] =	stream.linear.scatter [tilespmem:s20], [sflag:$0x3], $0x4000, $0x38;
	[tilespmem:$0x1E800] =	vst v63  }
0x1c: {  	_ =	swait.ge [sflag:s21], $0x4000  }
0x1d: {  	[sflag:s21] =	ssyncset.done $0x0  }
0x1e: {  	[sflag:s21] =	ssyncadd.s32 $0xFFFFC000  }
0x1f: {  	[spmem:s10] =	stream.linear.scatter [tilespmem:s20], [sflag:$0x3], $0x4000, $0x38;
	[tilespmem:$0x1E800] =	vst v63  }
0x20: {  	_ =	swait.ge [sflag:s21], $0x4000  }
0x21: {  	[sflag:s21] =	ssyncset.done $0x0  }
0x22: {  	[sflag:s21] =	ssyncadd.s32 $0xFFFFC000  }
0x23: {  	[spmem:s11] =	stream.linear.scatter [tilespmem:s20], [sflag:$0x3], $0x4000, $0x38;
	[tilespmem:$0x1E800] =	vst v63  }
0x24: {  	_ =	swait.ge [sflag:s21], $0x4000  }
0x25: {  	[sflag:s21] =	ssyncset.done $0x0  }
0x26: {  	[sflag:s21] =	ssyncadd.s32 $0xFFFFC000  }
0x27: {  	[spmem:s12] =	stream.linear.scatter [tilespmem:s20], [sflag:$0x3], $0x4000, $0x38;
	[tilespmem:$0x1E800] =	vst v63  }
0x28: {  	_ =	swait.ge [sflag:s21], $0x4000  }
0x29: {  	[sflag:s21] =	ssyncset.done $0x0  }
0x2a: {  	[sflag:s21] =	ssyncadd.s32 $0xFFFFC000  }
0x2b: {  	s31 =	simm.s32 $0x0;
	[bflag:$0x0] =	sbarrier.arrive $0xFFFF  }
.LBB2_2:
0x2c: {  	s0 =	smul.u32 $0x1400, s31;
	_ =	sdelay $0x1  }
0x2d: {  	s0 =	sadd.s32 s13, s0  }
0x2e: {  	s0 =	sshrl.u32 s0, $0x3  }
0x2f: {  	s7 =	simm.s32 $0x0;
	s1 =	sadd.s32 s5, s0  }
0x30: {  	[tilespmem:s7], [sflag:$0x3] =	stream.linear.gather [hbm4b:s1+s7], $0x1400, $0x38;
	[tilespmem:$0x1E800] =	vst v63  }
0x31: {  	_ =	swait.ge [sflag:s21], $0x1400  }
0x32: {  	[sflag:s21] =	ssyncset.done $0x0  }
0x33: {  	s0 =	sadd.s32 s6, s0;
	[sflag:s21] =	ssyncadd.s32 $0xFFFFEC00  }
0x34: {  	[tilespmem:s22], [sflag:$0x3] =	stream.linear.gather [hbm4b:s0+s7], $0x1400, $0x38;
	[tilespmem:$0x1E800] =	vst v63  }
0x35: {  	_ =	swait.ge [sflag:s21], $0x1400  }
0x36: {  	[sflag:s21] =	ssyncset.done $0x0  }
0x37: {  	[sflag:s21] =	ssyncadd.s32 $0xFFFFEC00  }
0x38: {  	[tilespmem:s20], [sflag:$0x1] =	stream.indirect.gather [hbm4b:s4+s23], $0x80, s7, s23, $0xb8;
	[tilespmem:$0x1E800] =	vst v63  }
0x39: {  	_ = 	snop  }
0x3a: {  	[tilespmem:s24], [sflag:$0x2] =	stream.indirect.gather [hbm4b:s4+s23], $0x80, s23, s23, $0xb8;
	[tilespmem:$0x1E800] =	vst v63  }
0x3b: {  	_ =	swait.ge [sflag:s25], $0x4000  }
0x3c: {  	[sflag:s25] =	ssyncset.done $0x0  }
0x3d: {  	s7 =	simm.s32 $0x1400;
	[sflag:s25] =	ssyncadd.s32 $0xFFFFC000  }
0x3e: {  	[spmem:s2] =	stream.indirect.scatter.add.f32 [tilespmem:s20], [sflag:$0x3], $0x80, s7, s23, $0xb8;
	[tilespmem:$0x1E800] =	vst v63  }
0x3f: {  	_ =	swait.ge [sflag:s21], $0x4000  }
0x40: {  	[sflag:s21] =	ssyncset.done $0x0  }
0x41: {  	s1 =	simm.s32 $0x100;
	[sflag:s21] =	ssyncadd.s32 $0xFFFFC000  }
0x42: {  	[tilespmem:s20], [sflag:$0x1] =	stream.indirect.gather [hbm4b:s4+s23], $0x80, s1, s23, $0xb8;
	[tilespmem:$0x1E800] =	vst v63  }
0x43: {  	_ =	swait.ge [sflag:s26], $0x4000  }
0x44: {  	[sflag:s26] =	ssyncset.done $0x0  }
0x45: {  	s7 =	simm.s32 $0x1480;
	[sflag:s26] =	ssyncadd.s32 $0xFFFFC000  }
0x46: {  	[spmem:s2] =	stream.indirect.scatter.add.f32 [tilespmem:s24], [sflag:$0x3], $0x80, s7, s23, $0xb8;
	[tilespmem:$0x1E800] =	vst v63  }
0x47: {  	_ =	swait.ge [sflag:s21], $0x4000  }
0x48: {  	[sflag:s21] =	ssyncset.done $0x0  }
0x49: {  	s0 =	simm.s32 $0x400;
	s1 =	simm.s32 $0x180;
	[sflag:s21] =	ssyncadd.s32 $0xFFFFC000  }
.LBB2_3:
0x4a: {  	[tilespmem:s24], [sflag:$0x2] =	stream.indirect.gather [hbm4b:s4+s23], $0x80, s1, s23, $0xb8;
	[tilespmem:$0x1E800] =	vst v63  }
0x4b: {  	s1 =	smov.u32 s0  }
0x4c: {  	p0 =	sne.s32 s0, $0x4800;
	s0 =	sadd.s32 $0x400, s0;
	_ =	swait.ge [sflag:s25], $0x4000  }
0x4d: {  	s1 =	sshra.s32 s1, $0x2;
	[sflag:s25] =	ssyncset.done $0x0  }
0x4e: {  	s7 =	sadd.s32 $0x1400, s1;
	[sflag:s25] =	ssyncadd.s32 $0xFFFFC000  }
0x4f: {  	[spmem:s2] =	stream.indirect.scatter.add.f32 [tilespmem:s20], [sflag:$0x3], $0x80, s7, s23, $0xb8;
	[tilespmem:$0x1E800] =	vst v63  }
0x50: {  	_ =	swait.ge [sflag:s21], $0x4000  }
0x51: {  	[sflag:s21] =	ssyncset.done $0x0  }
0x52: {  	s7 =	sadd.s32 $0x100, s1;
	[sflag:s21] =	ssyncadd.s32 $0xFFFFC000  }
0x53: {  	[tilespmem:s20], [sflag:$0x1] =	stream.indirect.gather [hbm4b:s4+s23], $0x80, s7, s23, $0xb8;
	[tilespmem:$0x1E800] =	vst v63  }
0x54: {  	_ =	swait.ge [sflag:s26], $0x4000  }
0x55: {  	[sflag:s26] =	ssyncset.done $0x0  }
.Ltmp0:
0x56: {  	s7 =	sadd.s32 $0x1480, s1;
	[sflag:s26] =	ssyncadd.s32 $0xFFFFC000;
	(pc) =	sbr.rel @p0 .LBB2_3-.Ltmp0, $4  }
0x57: {  	[spmem:s2] =	stream.indirect.scatter.add.f32 [tilespmem:s24], [sflag:$0x3], $0x80, s7, s23, $0xb8;
	[tilespmem:$0x1E800] =	vst v63  }
0x58: {  	_ =	swait.ge [sflag:s21], $0x4000  }
0x59: {  	[sflag:s21] =	ssyncset.done $0x0  }
0x5a: {  	s1 =	sadd.s32 $0x180, s1;
	[sflag:s21] =	ssyncadd.s32 $0xFFFFC000  }
0x5b: {  	[tilespmem:s24], [sflag:$0x2] =	stream.indirect.gather [hbm4b:s4+s23], $0x80, s1, s23, $0xb8;
	[tilespmem:$0x1E800] =	vst v63  }
0x5c: {  	_ =	swait.ge [sflag:s25], $0x4000  }
0x5d: {  	[sflag:s25] =	ssyncset.done $0x0  }
0x5e: {  	[sflag:s25] =	ssyncadd.s32 $0xFFFFC000  }
0x5f: {  	[spmem:s2] =	stream.indirect.scatter.add.f32 [tilespmem:s20], [sflag:$0x3], $0x80, s28, s23, $0xb8;
	[tilespmem:$0x1E800] =	vst v63  }
0x60: {  	_ =	swait.ge [sflag:s21], $0x4000  }
0x61: {  	[sflag:s21] =	ssyncset.done $0x0  }
0x62: {  	[sflag:s21] =	ssyncadd.s32 $0xFFFFC000  }
0x63: {  	s31 =	sadd.s32 $0x1, s31;
	_ =	swait.ge [sflag:s26], $0x4000  }
0x64: {  	p0 =	sne.s32 s31, $0x4;
	[sflag:s26] =	ssyncset.done $0x0  }
.Ltmp1:
0x65: {  	[sflag:s26] =	ssyncadd.s32 $0xFFFFC000;
	(pc) =	sbr.rel @p0 .LBB2_2-.Ltmp1, $4  }
0x66: {  	[spmem:s2] =	stream.indirect.scatter.add.f32 [tilespmem:s24], [sflag:$0x3], $0x80, s29, s23, $0xb8;
	[tilespmem:$0x1E800] =	vst v63  }
0x67: {  	_ =	swait.ge [sflag:s21], $0x4000  }
0x68: {  	[sflag:s21] =	ssyncset.done $0x0  }
0x69: {  	[sflag:s21] =	ssyncadd.s32 $0xFFFFC000  }
0x6a: {  	[bflag:$0x0] =	sbarrier.arrive $0xFFFF  }
0x6b: {  	[tilespmem:s20], [sflag:$0x3] =	stream.linear.gather [spmem:s8], $0x4000, $0x38;
	[tilespmem:$0x1E800] =	vst v63  }
0x6c: {  	_ =	swait.ge [sflag:s21], $0x4000  }
0x6d: {  	[sflag:s21] =	ssyncset.done $0x0  }
0x6e: {  	[sflag:s21] =	ssyncadd.s32 $0xFFFFC000  }
0x6f: {  	[hbm4b:s14+s3] =	stream.linear.scatter [tilespmem:s20], [sflag:$0x1], $0x4000, $0x38;
	[tilespmem:$0x1E800] =	vst v63  }
0x70: {  	_ = 	snop  }
0x71: {  	[tilespmem:s24], [sflag:$0x3] =	stream.linear.gather [spmem:s9], $0x4000, $0x38;
	[tilespmem:$0x1E800] =	vst v63  }
0x72: {  	_ =	swait.ge [sflag:s21], $0x4000  }
0x73: {  	[sflag:s21] =	ssyncset.done $0x0  }
0x74: {  	[sflag:s21] =	ssyncadd.s32 $0xFFFFC000  }
0x75: {  	[hbm4b:s15+s3] =	stream.linear.scatter [tilespmem:s24], [sflag:$0x2], $0x4000, $0x38;
	[tilespmem:$0x1E800] =	vst v63  }
0x76: {  	_ =	swait.ge [sflag:s25], $0x4000  }
0x77: {  	[sflag:s25] =	ssyncset.done $0x0  }
0x78: {  	[sflag:s25] =	ssyncadd.s32 $0xFFFFC000  }
0x79: {  	[tilespmem:s20], [sflag:$0x3] =	stream.linear.gather [spmem:s10], $0x4000, $0x38;
	[tilespmem:$0x1E800] =	vst v63  }
0x7a: {  	_ =	swait.ge [sflag:s21], $0x4000  }
0x7b: {  	[sflag:s21] =	ssyncset.done $0x0  }
0x7c: {  	[sflag:s21] =	ssyncadd.s32 $0xFFFFC000  }
0x7d: {  	[hbm4b:s16+s3] =	stream.linear.scatter [tilespmem:s20], [sflag:$0x1], $0x4000, $0x38;
	[tilespmem:$0x1E800] =	vst v63  }
0x7e: {  	_ =	swait.ge [sflag:s26], $0x4000  }
0x7f: {  	[sflag:s26] =	ssyncset.done $0x0  }
0x80: {  	[sflag:s26] =	ssyncadd.s32 $0xFFFFC000  }
0x81: {  	[tilespmem:s24], [sflag:$0x3] =	stream.linear.gather [spmem:s11], $0x4000, $0x38;
	[tilespmem:$0x1E800] =	vst v63  }
0x82: {  	_ =	swait.ge [sflag:s21], $0x4000  }
0x83: {  	[sflag:s21] =	ssyncset.done $0x0  }
0x84: {  	[sflag:s21] =	ssyncadd.s32 $0xFFFFC000  }
0x85: {  	[hbm4b:s17+s3] =	stream.linear.scatter [tilespmem:s24], [sflag:$0x2], $0x4000, $0x38;
	[tilespmem:$0x1E800] =	vst v63  }
0x86: {  	_ =	swait.ge [sflag:s25], $0x4000  }
0x87: {  	[sflag:s25] =	ssyncset.done $0x0  }
0x88: {  	[sflag:s25] =	ssyncadd.s32 $0xFFFFC000  }
0x89: {  	[tilespmem:s20], [sflag:$0x3] =	stream.linear.gather [spmem:s12], $0x4000, $0x38;
	[tilespmem:$0x1E800] =	vst v63  }
0x8a: {  	_ =	swait.ge [sflag:s21], $0x4000  }
0x8b: {  	[sflag:s21] =	ssyncset.done $0x0  }
0x8c: {  	s30 =	sadd.s32 $0x1, s30;
	[sflag:s21] =	ssyncadd.s32 $0xFFFFC000  }
0x8d: {  	[hbm4b:s18+s3] =	stream.linear.scatter [tilespmem:s20], [sflag:$0x1], $0x4000, $0x38;
	[tilespmem:$0x1E800] =	vst v63  }
0x8e: {  	p0 =	sne.s32 s30, s19;
	_ =	swait.ge [sflag:s26], $0x4000  }
.Ltmp2:
0x8f: {  	[sflag:s26] =	ssyncset.done $0x0;
	(pc) =	sbr.rel @p0 .LBB2_1-.Ltmp2, $4  }
0x90: {  	[sflag:s26] =	ssyncadd.s32 $0xFFFFC000  }
0x91: {  	_ =	swait.ge [sflag:s25], $0x4000  }
0x92: {  	[sflag:s25] =	ssyncset.done $0x0  }
0x93: {  	[sflag:s25] =	ssyncadd.s32 $0xFFFFC000  }
0x94: {  	_ =	sfence.sel $0x180000  }
0x95: {  	[bflag:$0x0] =	sbarrier.arrive $0xFFFF  }
0x96: {  	_ =	strace $0x9000004A  }
0x97: {  	s0 =	stileid.u32;
	[bflag:$0x2] =	sbarrier.arrive $0xFFFF  }
0x98: {  	p0 =	sne.s32 s0, $0x0;
	s0 =	rddreg [dreg:$0x2]  }
0x99: {  	s0 =	sadd.s32 @!p0 $0x100000, s0  }
0x9a: {  	[sflag:s0] =	ssyncadd.tile.s32 @!p0 $0x1;
	_ =	shalt  }
.Lfunc_end2:
_tile_overlayer_lowered:
.L_overlay_start_2:
0x9b: {  	(tag) =	ssettag $0x2  }
0x9c: {  	s0 =	rddreg [dreg:$0x0];
	s2 =	stileid.u32  }
0x9d: {  	s1 =	rddreg [dreg:$0x1];
	p0 =	sne.s32 s2, $0x0  }
0x9e: {  	s3 =	rddreg [dreg:$0x2];
	[bflag:$0x3] =	sbarrier.arrive $0xFFFF;
	s2 =	simm.s32 @!p0 $0x1C03  }
0x9f: {  	[timem:s3], [sflag:s2] =	dma.local @!p0 [hbm:s0], s1  }
0xa0: {  	s0 =	simm.s32 @!p0 $0x3  }
0xa1: {  	_ =	swait.ge @!p0 [sflag:s0], s1  }
0xa2: {  	s1 =	ssub.s32 @!p0 $0x0, s1;
	[sflag:s0] =	ssyncset.done @!p0 $0x0  }
0xa3: {  	[sflag:s0] =	ssyncadd.s32 @!p0 s1  }
0xa4: {  	[bflag:$0x3] =	sbarrier.arrive $0xFFFF  }
0xa5: {  	_ =	shalt  }

// kernel: kernel.7.cloned.1.call-start
scs
__scs_entry_jumppad:
0x0: {  	(pc) =	sbr.rel $0x88, $3  }
0x1: {  	(tag) =	ssettag $0x0;
	lr =	simm.s32 $0x1  }
0x2: {  	[smem:$0x3F8F] =	sst lr;
	_ =	strace $0xD0000000  }
0x3: {  	_ = 	snop  }
0x4: {  	_ = 	snop  }
0x5: {  	_ = 	snop  }
0x6: {  	_ = 	snop  }
0x7: {  	_ = 	snop  }
__scs_overlays_trampoline_lowered:
0x8: {  	[smem:$0x3F9E] =	sst s0  }
0x9: {  	[smem:$0x3F9F] =	sst s1  }
0xa: {  	[smem:$0x3FA0] =	sst s2  }
0xb: {  	[smem:$0x3FA1] =	sst s3  }
0xc: {  	[smem:$0x3FA2] =	sst s4  }
0xd: {  	[smem:$0x3FA3] =	sst s5  }
0xe: {  	[smem:$0x3FA4] =	sst s6  }
0xf: {  	[smem:$0x3FA5] =	sst s7  }
0x10: {  	[smem:$0x3FA6] =	sst s8  }
0x11: {  	[smem:$0x3FA7] =	sst s9;
	s0 =	simm.s32 @!p0 $0x0  }
0x12: {  	s1 =	sld [smem:$0x3F8D];
	s0 =	simm.s32 @p0 $0x1  }
0x13: {  	[smem:$0x3FA8] =	sst s0;
	s0 =	simm.s32 @!p1 $0x0  }
0x14: {  	s2 =	sld [smem:$0x3F8C];
	s0 =	simm.s32 @p1 $0x1  }
0x15: {  	[smem:$0x3FA9] =	sst s0;
	s0 =	simm.s32 @!p2 $0x0  }
0x16: {  	s3 =	sld [smem:$0x3FDB];
	s0 =	simm.s32 @p2 $0x1  }
0x17: {  	s4 =	simm.s32 $0x1BF5;
	[smem:$0x3FAB] =	sst s0  }
0x18: {  	s0 =	sld [smem:$0x3F8E];
	_ =	swait.ge [sflag:s4], $0x0  }
0x19: {  	s7 =	sld [smem:$0x3F8F]  }
0x1a: {  	s8 =	sadd.s32 $0xFFFFE003, lr  }
0x1b: {  	s9 =	sadd.s32 $0xFFFFFEF7, lr;
	s5 =	simm.s32 $0xFFFFFFFF;
	p2 =	slt.u32 s8, $0xFFFFF086  }
0x1c: {  	p1 =	slt.u32 s9, $0xF7A;
	s5 =	simm.s32 @!p2 $0x0  }
0x1d: {  	s5 =	simm.s32 @p1 $0x1;
	p0 =	seq.s32 s7, s2  }
0x1e: {  	s7 =	smul.u32 @!p0 $0xF7A, s2;
	p2 =	seq.s32 @!p0 s5, $0x0  }
0x1f: {  	s9 =	smul.u32 $0xF7A, s1;
	s8 =	simm.s32 @!p0 $0x1BF5;
	p2 =	por !p2, p0  }
0x20: {  	[sflag:s8] =	ssyncset.s32 @!p0 $0xFFFFF086;
	s6 =	sadd.s32 @!p0 s3, s7;
	s7 =	simm.s32 @!p0 $0x108  }
0x21: {  	s3 =	sadd.s32 s3, s9;
	s6 =	sadd.s32 @!p0 $0x88, s6;
	s7 =	simm.s32 @p2 $0x1082  }
0x22: {  	[simem:s7], [sflag:s8] =	dma.local @!p0 [hbm:s6], $0xF7A  }
0x23: {  	s9 =	sor.u32 $0xD0000000, s2;
	s6 =	simm.s32 $0x108;
	_ =	swait.ge @!p0 [sflag:s8], $0x0  }
0x24: {  	s3 =	sadd.s32 $0x88, s3;
	s6 =	simm.s32 @!p1 $0x1082;
	[sflag:s4] =	ssyncset.s32 $0xFFFFF086  }
0x25: {  	[simem:s6], [sflag:s4] =	dma.local [hbm:s3], $0xF7A  }
0x26: {  	[smem:$0x3F8F] =	sst s1;
	(tag) =	ssettag s2;
	_ =	strace s9  }
0x27: {  	s1 =	sld [smem:$0x3F9F]  }
0x28: {  	s2 =	sld [smem:$0x3FA0]  }
0x29: {  	s4 =	sld [smem:$0x3FA2]  }
0x2a: {  	p0 =	seq.s32 s5, $0x0;
	s5 =	sld [smem:$0x3FA3]  }
0x2b: {  	s6 =	sld [smem:$0x3FA4]  }
0x2c: {  	s7 =	sld [smem:$0x3FA5]  }
0x2d: {  	s3 =	simm.s32 $0x108;
	s8 =	sld [smem:$0x3FA6]  }
0x2e: {  	s3 =	simm.s32 @!p0 $0x1082;
	s9 =	sld [smem:$0x3FA7]  }
0x2f: {  	lr =	sadd.s32 s0, s3;
	s0 =	sld [smem:$0x3F9E]  }
0x30: {  	s3 =	sld [smem:$0x3FA1]  }
0x31: {  	[smem:$0x3FAA] =	sst s10  }
0x32: {  	s10 =	sld [smem:$0x3FA8];
	_ =	sdelay $0x3  }
0x33: {  	p0 =	seq.s32 s10, $0x1;
	s10 =	sld [smem:$0x3FAA];
	_ =	sdelay $0x3  }
0x34: {  	[smem:$0x3FAA] =	sst s10  }
0x35: {  	s10 =	sld [smem:$0x3FA9];
	_ =	sdelay $0x3  }
0x36: {  	p1 =	seq.s32 s10, $0x1;
	s10 =	sld [smem:$0x3FAA];
	_ =	sdelay $0x3  }
0x37: {  	[smem:$0x3FAA] =	sst s10  }
0x38: {  	s10 =	sld [smem:$0x3FAB]  }
0x39: {  	_ = 	snop;
	(pc) =	sbr.ind lr, $3  }
0x3a: {  	_ = 	snop  }
0x3b: {  	_ = 	snop  }
0x3c: {  	p2 =	seq.s32 s10, $0x1;
	s10 =	sld [smem:$0x3FAA]  }
0x3d: {  	_ =	shalt  }
0x3e: {  	_ =	shalt  }
0x3f: {  	_ =	shalt  }
0x40: {  	_ =	shalt  }
0x41: {  	_ =	shalt  }
0x42: {  	_ =	shalt  }
0x43: {  	_ =	shalt  }
0x44: {  	_ =	shalt  }
0x45: {  	_ =	shalt  }
0x46: {  	_ =	shalt  }
0x47: {  	_ =	shalt  }
0x48: {  	_ =	shalt  }
0x49: {  	_ =	shalt  }
0x4a: {  	_ =	shalt  }
0x4b: {  	_ =	shalt  }
0x4c: {  	_ =	shalt  }
0x4d: {  	_ =	shalt  }
0x4e: {  	_ =	shalt  }
0x4f: {  	_ =	shalt  }
0x50: {  	_ =	shalt  }
0x51: {  	_ =	shalt  }
0x52: {  	_ =	shalt  }
0x53: {  	_ =	shalt  }
0x54: {  	_ =	shalt  }
0x55: {  	_ =	shalt  }
0x56: {  	_ =	shalt  }
0x57: {  	_ =	shalt  }
0x58: {  	_ =	shalt  }
0x59: {  	_ =	shalt  }
0x5a: {  	_ =	shalt  }
0x5b: {  	_ =	shalt  }
0x5c: {  	_ =	shalt  }
0x5d: {  	_ =	shalt  }
0x5e: {  	_ =	shalt  }
0x5f: {  	_ =	shalt  }
0x60: {  	_ =	shalt  }
0x61: {  	_ =	shalt  }
0x62: {  	_ =	shalt  }
0x63: {  	_ =	shalt  }
0x64: {  	_ =	shalt  }
0x65: {  	_ =	shalt  }
0x66: {  	_ =	shalt  }
0x67: {  	_ =	shalt  }
0x68: {  	_ =	shalt  }
0x69: {  	_ =	shalt  }
0x6a: {  	_ =	shalt  }
0x6b: {  	_ =	shalt  }
0x6c: {  	_ =	shalt  }
0x6d: {  	_ =	shalt  }
0x6e: {  	_ =	shalt  }
0x6f: {  	_ =	shalt  }
0x70: {  	_ =	shalt  }
0x71: {  	_ =	shalt  }
0x72: {  	_ =	shalt  }
0x73: {  	_ =	shalt  }
0x74: {  	_ =	shalt  }
0x75: {  	_ =	shalt  }
0x76: {  	_ =	shalt  }
0x77: {  	_ =	shalt  }
0x78: {  	_ =	shalt  }
0x79: {  	_ =	shalt  }
0x7a: {  	_ =	shalt  }
0x7b: {  	_ =	shalt  }
0x7c: {  	_ =	shalt  }
0x7d: {  	_ =	shalt  }
0x7e: {  	_ =	shalt  }
0x7f: {  	_ =	shalt  }
0x80: {  	_ =	shalt  }
0x81: {  	_ =	shalt  }
0x82: {  	_ =	shalt  }
0x83: {  	_ =	shalt  }
0x84: {  	_ =	shalt  }
0x85: {  	_ =	shalt  }
0x86: {  	_ =	shalt  }
0x87: {  	_ =	shalt  }
.Lfunc_end0:
.L_simem_size_0:
called_computation_lowered:
.L_overlay_start_0:
0x88: {  	s2 =	sld [smem:$0x3FD9]  }
0x89: {  	s3 =	sld [smem:$0x3FFE];
	_ =	sdelay $0x1  }
0x8a: {  	s1 =	srdreg.scid  }
0x8b: {  	s0 =	sand.u32 $0x1, s1  }
0x8c: {  	s16 =	sshll.u32 s0, $0xA;
	s2 =	sadd.s32 s3, s2  }
0x8d: {  	s2 =	sadd.s32 s2, s16  }
0x8e: {  	[smem:$0x3FB6] =	sst s2  }
0x8f: {  	_ = 	snop  }
0x90: {  	(tm) =	ssettm $0x1  }
0x91: {  	s17 =	sld [smem:$0x3FFB];
	_ =	sdelay $0x3  }
0x92: {  	_ =	strace s17  }
0x93: {  	s2 =	sld [smem:$0x3FFC];
	_ =	sdelay $0x3  }
0x94: {  	_ =	strace s2  }
0x95: {  	s2 =	sld [smem:$0x3FFD];
	_ =	sdelay $0x3  }
0x96: {  	_ =	strace s2  }
0x97: {  	_ =	strace $0x8FFFFFFF  }
0x98: {  	s18 =	sld [smem:$0x3FDB];
	_ =	sdelay $0x1  }
0x99: {  	s19 =	simm.s32 $_scs_section_size  }
0x9a: {  	s4 =	simm.s32 $_size__tile_overlayer_lowered;
	s5 =	simm.s32 $_tile_overlayer_lowered  }
0x9b: {  	s22 =	simm.s32 $0x1BFF;
	s21 =	sshll.u32 s5, $0x1;
	s2 =	sadd.s32 s19, s18  }
0x9c: {  	s6 =	simm.s32 $0x0;
	s20 =	sshll.u32 s4, $0x1;
	s4 =	sadd.s32 s21, s2  }
0x9d: {  	[timem:s6], [sflag:s22] =	dma.local [hbm:s4], s20  }
0x9e: {  	_ =	swait.ge [sflag:s22], s20  }
0x9f: {  	s3 =	ssub.s32 $0x0, s20;
	[sflag:s22] =	ssyncset.done $0x0  }
0xa0: {  	[sflag:s22] =	ssyncadd.s32 s3;
	_ =	sdelay $0x1  }
0xa1: {  	s23 =	simm.s32 $0x1B8B  }
0xa2: {  	_ =	swait.ge [sflag:s23], $0x1  }
0xa3: {  	[sflag:s23] =	ssyncset.done $0x0  }
0xa4: {  	s25 =	simm.s32 $0x1B8E;
	s24 =	sld [smem:$0x3FFE];
	[sflag:s23] =	ssyncadd.s32 $0xFFFFFFFF  }
0xa5: {  	s26 =	simm.s32 $execute0_lowered;
	[smem:$0x3FD2] =	sst s25  }
0xa6: {  	s4 =	sshll.u32 s26, $0x1;
	_ =	strace $0x80000046;
	[dreg:$0x1] =	wrdreg $0xFFFFFFFF  }
0xa7: {  	s28 =	simm.s32 $_size_execute0_lowered;
	s2 =	sadd.s32 s2, s4;
	[dreg:$0x0] =	wrdreg $0x0  }
0xa8: {  	s4 =	sshll.u32 s28, $0x1;
	[dreg:$0x2] =	wrdreg s2  }
0xa9: {  	[dreg:$0x3] =	wrdreg s4  }
0xaa: {  	[dreg:$0x4] =	wrdreg $0xC0  }
0xab: {  	_ =	task [dreg:s6], $0x5FFFF  }
0xac: {  	[dreg:$0x1] =	wrdreg $0xFFFFFFFF  }
0xad: {  	[dreg:$0x0] =	wrdreg $0x60  }
0xae: {  	[dreg:$0x2] =	wrdreg s24  }
0xaf: {  	[dreg:$0x3] =	wrdreg $0x9  }
0xb0: {  	_ =	task.clear_ibuf [dreg:s6], $0x4FFFF;
	_ =	strace $0x90000046  }
0xb1: {  	s29 =	simm.s32 $0x9;
	_ =	strace $0x80000048  }
0xb2: {  	_ =	swait.ge [sflag:s29], $0x1  }
0xb3: {  	[sflag:s29] =	ssyncadd.s32 $0xFFFFFFFF  }
0xb4: {  	_ =	strace $0x90000048  }
0xb5: {  	_ =	sfence  }
0xb6: {  	s30 =	sld [smem:$0x0];
	_ =	sdelay $0x2  }
0xb7: {  	s31 =	sshll.u32 s1, $0xD;
	s1 =	sshrl.u32 s1, $0x2  }
0xb8: {  	s3 =	sand.u32 $0x4000, s31;
	s1 =	sadd.s32 s1, s30  }
0xb9: {  	s0 =	sor.u32 s3, s0;
	s1 =	sshll.u32 s1, $0x11  }
0xba: {  	s0 =	sor.u32 s1, s0  }
0xbb: {  	s0 =	sadd.s32 $0x8F2B, s0  }
0xbc: {  	[sflag:s0] =	ssyncadd.remote.s32 $0x1  }
0xbd: {  	_ =	sfence.sel $0xFFFF  }
0xbe: {  	[dreg:$0x0] =	wrdreg $0xFFFFFFFF;
	(pc) =	sbr.abs _section_cstart, $3  }
0xbf: {  	[dreg:$0x1] =	wrdreg $0xFFFFFFFF  }
0xc0: {  	_ =	task.clear_ibuf [dreg:s6], $0x2FFFF;
	_ =	strace $0x9FFFFFFF  }
0xc1: {  	(tm) =	ssettm $0x7FFFFFFF  }
tec
execute0_lowered:
.L_overlay_start_1:
0x0: {  	(tag) =	ssettag $0x1  }
0x1: {  	s0 =	srdreg.scid  }
0x2: {  	s5 =	rddreg [dreg:$0x0];
	s4 =	sand.u32 $0x1, s0  }
0x3: {  	s2 =	simm.s32 $0x0;
	s0 =	stileid.u32;
	s1 =	sshll.u32 s4, $0x4  }
0x4: {  	s10 =	simm.s32 $0x400;
	s11 =	simm.s32 $0x0;
	s6 =	sor.u32 s0, s1  }
0x5: {  	[smem:$0x7FF] =	sst s2;
	s9 =	smul.u32 $0xFFFFD800, s4;
	s3 =	sshrl.u32 s6, $0x3  }
0x6: {  	s7 =	sshll.u32 s0, $0x7;
	s8 =	ssub.s32 $0x2, s4;
	s3 =	smul.u32 $0x14000, s3  }
0x7: {  	s1 =	rddreg [dreg:$0x1];
	s7 =	sand.u32 $0x380, s7;
	_ =	strace $0x80000047  }
0x8: {  	s31 =	sshrl.u32 s8, $0x1;
	s4 =	smul.u32 $0x5000, s6;
	s7 =	sor.u32 s7, s3  }
0x9: {  	v0 =	vmov s9;
	s9 =	simm.s32 $0x80;
	s3 =	sadd.s32 $0x16200, s5;
	s7 =	sshrl.u32 s7, $0x3  }
0xa: {  	s5 =	sadd.s32 s7, s5;
	s7 =	ssub.s32 s8, s31;
	s8 =	simm.s32 $0x1400  }
0xb: {  	v1 =	vimm.f32 $0.0e+00;
	v2 =	vimm.f32 $1.000000000e+00;
	s5 =	sadd.s32 $0x2A200, s5;
	s6 =	smax.u32 s7, $0x1;
	s7 =	simm.s32 $0x1  }
.LBB2_1:
0xc: {  	s12 =	simm.s32 $0x0  }
.LBB2_2:
0xd: {  	p0 =	sne.s32 s12, $0x9FC0  }
.Ltmp0:
0xe: {  	_ = 	snop;
	(pc) =	sbr.rel @p0 .LBB2_2-.Ltmp0, $3  }
0xf: {  	_ =	sdelay $0x1  }
0x10: {  	s13 =	sshra.s32 s12, $0x2  }
0x11: {  	s12 =	sadd.s32 $0x40, s12;
	[tilespmem:s13+$0x1400] =	vst v1  }
0x12: {  	s12 =	simm.s32 $0x0  }
.LBB2_4:
0x13: {  	s13 =	smul.u32 $0x1400, s12;
	_ =	sdelay $0x1  }
0x14: {  	s13 =	sadd.s32 s4, s13  }
0x15: {  	s13 =	sshrl.u32 s13, $0x3  }
0x16: {  	s13 =	sadd.s32 s3, s13  }
0x17: {  	[tilespmem:s2], [sflag:$0x1] =	stream.linear.gather [hbm4b:s13+s2], $0x1400, $0x38;
	[tilespmem:$0x3C00] =	vst v63  }
0x18: {  	_ =	swait.ge [sflag:s7], $0x1400  }
0x19: {  	[sflag:s7] =	ssyncset.done $0x0  }
0x1a: {  	s13 =	simm.s32 $0x1C0;
	[sflag:s7] =	ssyncadd.s32 $0xFFFFEC00  }
.LBB2_5:
0x1b: {  	s14 =	sshra.s32 s13, $0x2  }
0x1c: {  	v3 =	vld [tilespmem:s14+$0xFFFFFF90];
	_ =	sdelay $0x4  }
0x1d: {  	v3 =	vadd.s32 v0, v3;
	_ =	sdelay $0x4  }
0x1e: {  	[tilespmem:v3+s8+$0x0] =	vst.idx.add.f32.msk $0xffff, v2  }
0x1f: {  	v3 =	vld [tilespmem:s14+$0xFFFFFFA0];
	_ =	sdelay $0x4  }
0x20: {  	v3 =	vadd.s32 v0, v3;
	_ =	sdelay $0x4  }
0x21: {  	[tilespmem:v3+s8+$0x0] =	vst.idx.add.f32.msk $0xffff, v2  }
0x22: {  	v3 =	vld [tilespmem:s14+$0xFFFFFFB0];
	_ =	sdelay $0x4  }
0x23: {  	v3 =	vadd.s32 v0, v3;
	_ =	sdelay $0x4  }
0x24: {  	[tilespmem:v3+s8+$0x0] =	vst.idx.add.f32.msk $0xffff, v2  }
0x25: {  	v3 =	vld [tilespmem:s14+$0xFFFFFFC0];
	_ =	sdelay $0x4  }
0x26: {  	v3 =	vadd.s32 v0, v3;
	_ =	sdelay $0x4  }
0x27: {  	[tilespmem:v3+s8+$0x0] =	vst.idx.add.f32.msk $0xffff, v2  }
0x28: {  	v3 =	vld [tilespmem:s14+$0xFFFFFFD0];
	_ =	sdelay $0x4  }
0x29: {  	v3 =	vadd.s32 v0, v3;
	_ =	sdelay $0x4  }
0x2a: {  	[tilespmem:v3+s8+$0x0] =	vst.idx.add.f32.msk $0xffff, v2  }
0x2b: {  	v3 =	vld [tilespmem:s14+$0xFFFFFFE0];
	_ =	sdelay $0x4  }
0x2c: {  	v3 =	vadd.s32 v0, v3;
	_ =	sdelay $0x4  }
0x2d: {  	[tilespmem:v3+s8+$0x0] =	vst.idx.add.f32.msk $0xffff, v2  }
0x2e: {  	v3 =	vld [tilespmem:s14+$0xFFFFFFF0];
	_ =	sdelay $0x4  }
0x2f: {  	v3 =	vadd.s32 v0, v3;
	_ =	sdelay $0x4  }
0x30: {  	[tilespmem:v3+s8+$0x0] =	vst.idx.add.f32.msk $0xffff, v2  }
0x31: {  	v3 =	vld [tilespmem:s14+$0x0];
	_ =	sdelay $0x4  }
0x32: {  	p0 =	sne.s32 s13, $0x4FC0;
	v3 =	vadd.s32 v0, v3  }
.Ltmp1:
0x33: {  	_ = 	snop;
	(pc) =	sbr.rel @p0 .LBB2_5-.Ltmp1, $2  }
0x34: {  	_ =	sdelay $0x2  }
0x35: {  	s13 =	sadd.s32 $0x200, s13;
	[tilespmem:v3+s8+$0x0] =	vst.idx.add.f32.msk $0xffff, v2  }
0x36: {  	s12 =	sadd.s32 $0x1, s12  }
0x37: {  	p0 =	sne.s32 s12, $0x4  }
.Ltmp2:
0x38: {  	_ = 	snop;
	(pc) =	sbr.rel @p0 .LBB2_4-.Ltmp2, $1  }
0x39: {  	_ =	sdelay $0x3  }
0x3a: {  	s11 =	sadd.s32 $0x1, s11  }
0x3b: {  	p0 =	sne.s32 s11, s6  }
.Ltmp3:
0x3c: {  	_ = 	snop;
	(pc) =	sbr.rel @p0 .LBB2_1-.Ltmp3, $4  }
0x3d: {  	[hbm4b:s5+s9] =	stream.strided.scatter [tilespmem:s8], [sflag:$0x1], $0x2800, s10, s9, $0x38;
	[tilespmem:$0x3C00] =	vst v63  }
0x3e: {  	_ =	swait.ge [sflag:s7], $0x2800  }
0x3f: {  	[sflag:s7] =	ssyncset.done $0x0  }
0x40: {  	[sflag:s7] =	ssyncadd.s32 $0xFFFFD800  }
0x41: {  	_ =	sfence.sel $0x180000  }
0x42: {  	[bflag:$0x0] =	sbarrier.arrive $0xFFFF  }
0x43: {  	p0 =	sne.s32 s0, $0x0;
	_ =	strace $0x90000047  }
0x44: {  	s0 =	sadd.s32 @!p0 $0x100000, s1;
	[bflag:$0x2] =	sbarrier.arrive $0xFFFF  }
0x45: {  	[sflag:s0] =	ssyncadd.tile.s32 @!p0 $0x1;
	_ =	shalt  }
.Lfunc_end2:
_tile_overlayer_lowered:
.L_overlay_start_2:
0x46: {  	(tag) =	ssettag $0x2  }
0x47: {  	s0 =	rddreg [dreg:$0x0];
	s2 =	stileid.u32  }
0x48: {  	s1 =	rddreg [dreg:$0x1];
	p0 =	sne.s32 s2, $0x0  }
0x49: {  	s3 =	rddreg [dreg:$0x2];
	[bflag:$0x3] =	sbarrier.arrive $0xFFFF;
	s2 =	simm.s32 @!p0 $0x1C01  }
0x4a: {  	[timem:s3], [sflag:s2] =	dma.local @!p0 [hbm:s0], s1  }
0x4b: {  	s0 =	simm.s32 @!p0 $0x1  }
0x4c: {  	_ =	swait.ge @!p0 [sflag:s0], s1  }
0x4d: {  	s1 =	ssub.s32 @!p0 $0x0, s1;
	[sflag:s0] =	ssyncset.done @!p0 $0x0  }
0x4e: {  	[sflag:s0] =	ssyncadd.s32 @!p0 s1  }
0x4f: {  	[bflag:$0x3] =	sbarrier.arrive $0xFFFF  }
0x50: {  	_ =	shalt  }

</sc_bundles>
